<compile_context>
chip_gen: v7x
topology: tpu7x:2x2x1
jax: 0.10.2.dev20260603
libtpu: 0.0.44.dev20260713+nightly
codegen_flags: <defaults>
</compile_context>

<pallas_src>
import functools

import jax
import jax.numpy as jnp
from jax import lax
from jax.experimental import pallas as pl
from jax.experimental.pallas import tpu as pltpu
from jax.experimental.pallas import tpu_sc as plsc

D_MODEL = 64
D_PAD = 128
NC = 2
NS = 16
NW = NC * NS
CHUNK = 128
NBUF = 5


@functools.lru_cache(maxsize=None)
def _build(b_total):
    b_per_w = b_total // NW
    n_chunks = b_per_w // CHUNK
    n_groups = n_chunks // NBUF
    mesh = plsc.VectorSubcoreMesh(core_axis_name="c", subcore_axis_name="s")

    @functools.partial(
        pl.kernel,
        mesh=mesh,
        out_type=jax.ShapeDtypeStruct((b_total, D_PAD), jnp.float32),
        scratch_types=[
            pltpu.VMEM((n_chunks, CHUNK), jnp.int32),
            pltpu.VMEM((NBUF, CHUNK, D_PAD), jnp.float32),
            pltpu.SemaphoreType.DMA((NBUF,)),
            pltpu.SemaphoreType.DMA((NBUF,)),
        ],
        compiler_params=pltpu.CompilerParams(use_tc_tiling_on_sc=True),
    )
    def embed(idx_hbm, table_hbm, out_hbm, idx_v, rows_v, sem_g, sem_s):
        wid = lax.axis_index("s") * NC + lax.axis_index("c")
        base = wid * b_per_w
        pltpu.sync_copy(idx_hbm.at[wid], idx_v)

        for b in range(NBUF):
            pltpu.async_copy(table_hbm.at[idx_v.at[b]], rows_v.at[b], sem_g.at[b])

        def group(g, carry):
            cbase = g * NBUF
            for b in range(NBUF):
                c = cbase + b
                pltpu.make_async_copy(
                    table_hbm.at[idx_v.at[c]], rows_v.at[b], sem_g.at[b]).wait()
                pltpu.async_copy(
                    rows_v.at[b],
                    out_hbm.at[pl.ds(base + c * CHUNK, CHUNK)],
                    sem_s.at[b])
            for b in range(NBUF):
                c = cbase + b
                pltpu.make_async_copy(
                    rows_v.at[b],
                    out_hbm.at[pl.ds(base + c * CHUNK, CHUNK)],
                    sem_s.at[b]).wait()

                @pl.when(g + 1 < n_groups)
                def _():
                    pltpu.async_copy(
                        table_hbm.at[idx_v.at[c + NBUF]], rows_v.at[b], sem_g.at[b])
            return carry

        lax.fori_loop(0, n_groups, group, 0)

    return embed


def kernel(tokens, W_E):
    bsz, seq = tokens.shape
    b_total = bsz * seq
    idx = tokens.astype(jnp.int32).reshape(NW, b_total // NW // CHUNK, CHUNK)
    table = jnp.pad(W_E, ((0, 0), (0, D_PAD - D_MODEL)))
    out = _build(b_total)(idx, table)
    return out[:, :D_MODEL].reshape(bsz, seq, D_MODEL)

# --- scband reference (transcript-rebuilt; emitter-appended) ---
"""Pipeline reference for scband-embed-60756607369635 (READ-ONLY COPY).

The authoritative reference and input builder live on the scoring server;
editing this copy changes nothing except your own understanding.
"""

import jax, jax.numpy as jnp
import numpy as np

D_VOCAB = 1000000
D_MODEL = 64
INIT_RANGE = 0.02

def setup_inputs(seed: int = 0) -> dict:
    key = jax.random.key(seed)
    k_tok, k_w = jax.random.split(key)
    tokens = jax.random.randint(k_tok, (1024, 200), 0, D_VOCAB, dtype=jnp.int64 if jax.config.jax_enable_x64 else jnp.int32)
    W_E = (jax.random.normal(k_w, (D_VOCAB, D_MODEL), dtype=jnp.float32) * INIT_RANGE)
    return {"tokens": tokens, "W_E": W_E}

def reference(tokens, W_E):
    # Faithful translation of Embed.forward: W_E[tokens]
    return jnp.take(W_E, tokens, axis=0)

if __name__ == "__main__":
    import jax
    _d = setup_inputs()
    print(jax.jit(kernel)(*tuple(_d.values())))

</pallas_src>

<mosaic_0001>
#map = affine_map<(d0, d1) -> (0, 0, 0)>
#map1 = affine_map<(d0, d1) -> (0, 0)>
module attributes {stable_mosaic.version = 14 : i64} {
  func.func @embed(%arg0: i32, %arg1: i32, %arg2: memref<32x50x128xi32, #tpu.memory_space<hbm>>, %arg3: memref<1000000x128xf32, #tpu.memory_space<hbm>>, %arg4: memref<204800x128xf32, #tpu.memory_space<hbm>>, %arg5: memref<50x128xi32, #tpu.memory_space<vmem>>, %arg6: memref<5x128x128xf32, #tpu.memory_space<vmem>>, %arg7: memref<5x!tpu.dma_semaphore, #tpu.memory_space<semaphore_mem>>, %arg8: memref<5x!tpu.dma_semaphore, #tpu.memory_space<semaphore_mem>>) attributes {dimension_semantics = [#tpu.dimension_semantics<core_parallel>, #tpu.dimension_semantics<subcore_parallel>], iteration_bounds = array<i64: 2, 16>, scalar_prefetch = 0 : i64, scratch_operands = 4 : i64, tpu.core_type = #tpu.core_type<sc_vector_subcore>, window_params = [{transform_indices = #map}, {transform_indices = #map1}, {transform_indices = #map1}]} {
    %mul3A = arith.constant 2 : i32
    %mul3A_0 = arith.muli %arg1, %mul3A : i32
    %add3A = arith.addi %mul3A_0, %arg0 : i32
    %mul3A_1 = arith.constant 6400 : i32
    %mul3A_2 = arith.muli %add3A, %mul3A_1 : i32
    "tpu.region"() ({
      %run_scoped3A = tpu.sem_alloc : memref<!tpu.dma_semaphore, #tpu.memory_space<semaphore_mem>>
      %dma_start3A_82 = arith.constant 0 : i32
      %dma_start3A_83 = arith.constant 0 : i32
      %dma_start3A_84 = tpu.memref_slice %arg2[%add3A, %dma_start3A_82, %dma_start3A_83] : memref<32x50x128xi32, #tpu.memory_space<hbm>> -> memref<1x50x128xi32, #tpu.memory_space<hbm>>
      %dma_start3A_85 = tpu.memref_squeeze %dma_start3A_84 : memref<1x50x128xi32, #tpu.memory_space<hbm>> -> memref<50x128xi32, #tpu.memory_space<hbm>>
      %dma_start3A_86 = arith.constant 0 : i32
      %dma_start3A_87 = arith.constant 0 : i32
      %dma_start3A_88 = tpu.memref_slice %arg2[%add3A, %dma_start3A_86, %dma_start3A_87] : memref<32x50x128xi32, #tpu.memory_space<hbm>> -> memref<1x50x128xi32, #tpu.memory_space<hbm>>
      %dma_start3A_89 = tpu.memref_squeeze %dma_start3A_88 : memref<1x50x128xi32, #tpu.memory_space<hbm>> -> memref<50x128xi32, #tpu.memory_space<hbm>>
      tpu.enqueue_dma source(%dma_start3A_89 : memref<50x128xi32, #tpu.memory_space<hbm>>) target(%arg5 : memref<50x128xi32, #tpu.memory_space<vmem>>) target_semaphore(%run_scoped3A : memref<!tpu.dma_semaphore, #tpu.memory_space<semaphore_mem>>)
      %dma_wait3A = arith.constant 0 : i32
      %dma_wait3A_90 = arith.constant 0 : i32
      %dma_wait3A_91 = tpu.memref_slice %arg2[%add3A, %dma_wait3A, %dma_wait3A_90] : memref<32x50x128xi32, #tpu.memory_space<hbm>> -> memref<1x50x128xi32, #tpu.memory_space<hbm>>
      %dma_wait3A_92 = tpu.memref_squeeze %dma_wait3A_91 : memref<1x50x128xi32, #tpu.memory_space<hbm>> -> memref<50x128xi32, #tpu.memory_space<hbm>>
      %dma_wait3A_93 = arith.constant 0 : i32
      %dma_wait3A_94 = arith.constant 0 : i32
      %dma_wait3A_95 = tpu.memref_slice %arg2[%add3A, %dma_wait3A_93, %dma_wait3A_94] : memref<32x50x128xi32, #tpu.memory_space<hbm>> -> memref<1x50x128xi32, #tpu.memory_space<hbm>>
      %dma_wait3A_96 = tpu.memref_squeeze %dma_wait3A_95 : memref<1x50x128xi32, #tpu.memory_space<hbm>> -> memref<50x128xi32, #tpu.memory_space<hbm>>
      tpu.wait_dma2 semaphore(%run_scoped3A : memref<!tpu.dma_semaphore, #tpu.memory_space<semaphore_mem>>) src(%dma_wait3A_96 : memref<50x128xi32, #tpu.memory_space<hbm>>) dst(%arg5 : memref<50x128xi32, #tpu.memory_space<vmem>>)
      tpu.yield
    }) : () -> ()
    %dma_start3A = arith.constant 0 : i32
    %dma_start3A_3 = arith.constant 0 : i32
    %dma_start3A_4 = arith.constant 0 : i32
    %dma_start3A_5 = arith.constant 0 : i32
    %dma_start3A_6 = arith.constant 0 : i32
    %dma_start3A_7 = tpu.memref_slice %arg6[%dma_start3A_3, %dma_start3A_5, %dma_start3A_6] : memref<5x128x128xf32, #tpu.memory_space<vmem>> -> memref<1x128x128xf32, #tpu.memory_space<vmem>>
    %dma_start3A_8 = tpu.memref_squeeze %dma_start3A_7 : memref<1x128x128xf32, #tpu.memory_space<vmem>> -> memref<128x128xf32, #tpu.memory_space<vmem>>
    %dma_start3A_9 = arith.constant 0 : i32
    %dma_start3A_10 = tpu.memref_slice %arg5[%dma_start3A, %dma_start3A_9] : memref<50x128xi32, #tpu.memory_space<vmem>> -> memref<1x128xi32, #tpu.memory_space<vmem>>
    %dma_start3A_11 = tpu.memref_squeeze %dma_start3A_10 : memref<1x128xi32, #tpu.memory_space<vmem>> -> memref<128xi32, #tpu.memory_space<vmem>>
    %dma_start3A_12 = arith.constant 0 : i32
    %dma_start3A_13 = arith.constant 0 : i32
    %dma_start3A_14 = tpu.memref_slice %arg3[%dma_start3A_12, %dma_start3A_13] : memref<1000000x128xf32, #tpu.memory_space<hbm>> -> memref<1000000x128xf32, #tpu.memory_space<hbm>>
    %dma_start3A_15 = tpu.memref_slice %arg7[%dma_start3A_4] : memref<5x!tpu.dma_semaphore, #tpu.memory_space<semaphore_mem>> -> memref<1x!tpu.dma_semaphore, #tpu.memory_space<semaphore_mem>>
    %dma_start3A_16 = tpu.memref_squeeze %dma_start3A_15 : memref<1x!tpu.dma_semaphore, #tpu.memory_space<semaphore_mem>> -> memref<!tpu.dma_semaphore, #tpu.memory_space<semaphore_mem>>
    tpu.enqueue_indirect_dma source(%dma_start3A_14 : memref<1000000x128xf32, #tpu.memory_space<hbm>>) target(%dma_start3A_8 : memref<128x128xf32, #tpu.memory_space<vmem>>) offsets(%dma_start3A_11 : memref<128xi32, #tpu.memory_space<vmem>>) semaphore(%dma_start3A_16 : memref<!tpu.dma_semaphore, #tpu.memory_space<semaphore_mem>>)
    %dma_start3A_17 = arith.constant 1 : i32
    %dma_start3A_18 = arith.constant 1 : i32
    %dma_start3A_19 = arith.constant 1 : i32
    %dma_start3A_20 = arith.constant 0 : i32
    %dma_start3A_21 = arith.constant 0 : i32
    %dma_start3A_22 = tpu.memref_slice %arg6[%dma_start3A_18, %dma_start3A_20, %dma_start3A_21] : memref<5x128x128xf32, #tpu.memory_space<vmem>> -> memref<1x128x128xf32, #tpu.memory_space<vmem>>
    %dma_start3A_23 = tpu.memref_squeeze %dma_start3A_22 : memref<1x128x128xf32, #tpu.memory_space<vmem>> -> memref<128x128xf32, #tpu.memory_space<vmem>>
    %dma_start3A_24 = arith.constant 0 : i32
    %dma_start3A_25 = tpu.memref_slice %arg5[%dma_start3A_17, %dma_start3A_24] : memref<50x128xi32, #tpu.memory_space<vmem>> -> memref<1x128xi32, #tpu.memory_space<vmem>>
    %dma_start3A_26 = tpu.memref_squeeze %dma_start3A_25 : memref<1x128xi32, #tpu.memory_space<vmem>> -> memref<128xi32, #tpu.memory_space<vmem>>
    %dma_start3A_27 = arith.constant 0 : i32
    %dma_start3A_28 = arith.constant 0 : i32
    %dma_start3A_29 = tpu.memref_slice %arg3[%dma_start3A_27, %dma_start3A_28] : memref<1000000x128xf32, #tpu.memory_space<hbm>> -> memref<1000000x128xf32, #tpu.memory_space<hbm>>
    %dma_start3A_30 = tpu.memref_slice %arg7[%dma_start3A_19] : memref<5x!tpu.dma_semaphore, #tpu.memory_space<semaphore_mem>> -> memref<1x!tpu.dma_semaphore, #tpu.memory_space<semaphore_mem>>
    %dma_start3A_31 = tpu.memref_squeeze %dma_start3A_30 : memref<1x!tpu.dma_semaphore, #tpu.memory_space<semaphore_mem>> -> memref<!tpu.dma_semaphore, #tpu.memory_space<semaphore_mem>>
    tpu.enqueue_indirect_dma source(%dma_start3A_29 : memref<1000000x128xf32, #tpu.memory_space<hbm>>) target(%dma_start3A_23 : memref<128x128xf32, #tpu.memory_space<vmem>>) offsets(%dma_start3A_26 : memref<128xi32, #tpu.memory_space<vmem>>) semaphore(%dma_start3A_31 : memref<!tpu.dma_semaphore, #tpu.memory_space<semaphore_mem>>)
    %dma_start3A_32 = arith.constant 2 : i32
    %dma_start3A_33 = arith.constant 2 : i32
    %dma_start3A_34 = arith.constant 2 : i32
    %dma_start3A_35 = arith.constant 0 : i32
    %dma_start3A_36 = arith.constant 0 : i32
    %dma_start3A_37 = tpu.memref_slice %arg6[%dma_start3A_33, %dma_start3A_35, %dma_start3A_36] : memref<5x128x128xf32, #tpu.memory_space<vmem>> -> memref<1x128x128xf32, #tpu.memory_space<vmem>>
    %dma_start3A_38 = tpu.memref_squeeze %dma_start3A_37 : memref<1x128x128xf32, #tpu.memory_space<vmem>> -> memref<128x128xf32, #tpu.memory_space<vmem>>
    %dma_start3A_39 = arith.constant 0 : i32
    %dma_start3A_40 = tpu.memref_slice %arg5[%dma_start3A_32, %dma_start3A_39] : memref<50x128xi32, #tpu.memory_space<vmem>> -> memref<1x128xi32, #tpu.memory_space<vmem>>
    %dma_start3A_41 = tpu.memref_squeeze %dma_start3A_40 : memref<1x128xi32, #tpu.memory_space<vmem>> -> memref<128xi32, #tpu.memory_space<vmem>>
    %dma_start3A_42 = arith.constant 0 : i32
    %dma_start3A_43 = arith.constant 0 : i32
    %dma_start3A_44 = tpu.memref_slice %arg3[%dma_start3A_42, %dma_start3A_43] : memref<1000000x128xf32, #tpu.memory_space<hbm>> -> memref<1000000x128xf32, #tpu.memory_space<hbm>>
    %dma_start3A_45 = tpu.memref_slice %arg7[%dma_start3A_34] : memref<5x!tpu.dma_semaphore, #tpu.memory_space<semaphore_mem>> -> memref<1x!tpu.dma_semaphore, #tpu.memory_space<semaphore_mem>>
    %dma_start3A_46 = tpu.memref_squeeze %dma_start3A_45 : memref<1x!tpu.dma_semaphore, #tpu.memory_space<semaphore_mem>> -> memref<!tpu.dma_semaphore, #tpu.memory_space<semaphore_mem>>
    tpu.enqueue_indirect_dma source(%dma_start3A_44 : memref<1000000x128xf32, #tpu.memory_space<hbm>>) target(%dma_start3A_38 : memref<128x128xf32, #tpu.memory_space<vmem>>) offsets(%dma_start3A_41 : memref<128xi32, #tpu.memory_space<vmem>>) semaphore(%dma_start3A_46 : memref<!tpu.dma_semaphore, #tpu.memory_space<semaphore_mem>>)
    %dma_start3A_47 = arith.constant 3 : i32
    %dma_start3A_48 = arith.constant 3 : i32
    %dma_start3A_49 = arith.constant 3 : i32
    %dma_start3A_50 = arith.constant 0 : i32
    %dma_start3A_51 = arith.constant 0 : i32
    %dma_start3A_52 = tpu.memref_slice %arg6[%dma_start3A_48, %dma_start3A_50, %dma_start3A_51] : memref<5x128x128xf32, #tpu.memory_space<vmem>> -> memref<1x128x128xf32, #tpu.memory_space<vmem>>
    %dma_start3A_53 = tpu.memref_squeeze %dma_start3A_52 : memref<1x128x128xf32, #tpu.memory_space<vmem>> -> memref<128x128xf32, #tpu.memory_space<vmem>>
    %dma_start3A_54 = arith.constant 0 : i32
    %dma_start3A_55 = tpu.memref_slice %arg5[%dma_start3A_47, %dma_start3A_54] : memref<50x128xi32, #tpu.memory_space<vmem>> -> memref<1x128xi32, #tpu.memory_space<vmem>>
    %dma_start3A_56 = tpu.memref_squeeze %dma_start3A_55 : memref<1x128xi32, #tpu.memory_space<vmem>> -> memref<128xi32, #tpu.memory_space<vmem>>
    %dma_start3A_57 = arith.constant 0 : i32
    %dma_start3A_58 = arith.constant 0 : i32
    %dma_start3A_59 = tpu.memref_slice %arg3[%dma_start3A_57, %dma_start3A_58] : memref<1000000x128xf32, #tpu.memory_space<hbm>> -> memref<1000000x128xf32, #tpu.memory_space<hbm>>
    %dma_start3A_60 = tpu.memref_slice %arg7[%dma_start3A_49] : memref<5x!tpu.dma_semaphore, #tpu.memory_space<semaphore_mem>> -> memref<1x!tpu.dma_semaphore, #tpu.memory_space<semaphore_mem>>
    %dma_start3A_61 = tpu.memref_squeeze %dma_start3A_60 : memref<1x!tpu.dma_semaphore, #tpu.memory_space<semaphore_mem>> -> memref<!tpu.dma_semaphore, #tpu.memory_space<semaphore_mem>>
    tpu.enqueue_indirect_dma source(%dma_start3A_59 : memref<1000000x128xf32, #tpu.memory_space<hbm>>) target(%dma_start3A_53 : memref<128x128xf32, #tpu.memory_space<vmem>>) offsets(%dma_start3A_56 : memref<128xi32, #tpu.memory_space<vmem>>) semaphore(%dma_start3A_61 : memref<!tpu.dma_semaphore, #tpu.memory_space<semaphore_mem>>)
    %dma_start3A_62 = arith.constant 4 : i32
    %dma_start3A_63 = arith.constant 4 : i32
    %dma_start3A_64 = arith.constant 4 : i32
    %dma_start3A_65 = arith.constant 0 : i32
    %dma_start3A_66 = arith.constant 0 : i32
    %dma_start3A_67 = tpu.memref_slice %arg6[%dma_start3A_63, %dma_start3A_65, %dma_start3A_66] : memref<5x128x128xf32, #tpu.memory_space<vmem>> -> memref<1x128x128xf32, #tpu.memory_space<vmem>>
    %dma_start3A_68 = tpu.memref_squeeze %dma_start3A_67 : memref<1x128x128xf32, #tpu.memory_space<vmem>> -> memref<128x128xf32, #tpu.memory_space<vmem>>
    %dma_start3A_69 = arith.constant 0 : i32
    %dma_start3A_70 = tpu.memref_slice %arg5[%dma_start3A_62, %dma_start3A_69] : memref<50x128xi32, #tpu.memory_space<vmem>> -> memref<1x128xi32, #tpu.memory_space<vmem>>
    %dma_start3A_71 = tpu.memref_squeeze %dma_start3A_70 : memref<1x128xi32, #tpu.memory_space<vmem>> -> memref<128xi32, #tpu.memory_space<vmem>>
    %dma_start3A_72 = arith.constant 0 : i32
    %dma_start3A_73 = arith.constant 0 : i32
    %dma_start3A_74 = tpu.memref_slice %arg3[%dma_start3A_72, %dma_start3A_73] : memref<1000000x128xf32, #tpu.memory_space<hbm>> -> memref<1000000x128xf32, #tpu.memory_space<hbm>>
    %dma_start3A_75 = tpu.memref_slice %arg7[%dma_start3A_64] : memref<5x!tpu.dma_semaphore, #tpu.memory_space<semaphore_mem>> -> memref<1x!tpu.dma_semaphore, #tpu.memory_space<semaphore_mem>>
    %dma_start3A_76 = tpu.memref_squeeze %dma_start3A_75 : memref<1x!tpu.dma_semaphore, #tpu.memory_space<semaphore_mem>> -> memref<!tpu.dma_semaphore, #tpu.memory_space<semaphore_mem>>
    tpu.enqueue_indirect_dma source(%dma_start3A_74 : memref<1000000x128xf32, #tpu.memory_space<hbm>>) target(%dma_start3A_68 : memref<128x128xf32, #tpu.memory_space<vmem>>) offsets(%dma_start3A_71 : memref<128xi32, #tpu.memory_space<vmem>>) semaphore(%dma_start3A_76 : memref<!tpu.dma_semaphore, #tpu.memory_space<semaphore_mem>>)
    %scan3A = arith.constant 0 : i32
    %scan3A_77 = arith.constant 0 : i32
    %scan3A_78 = arith.constant 10 : i32
    %scan3A_79 = arith.addi %scan3A_77, %scan3A_78 : i32
    %scan3A_80 = arith.constant 1 : i32
    scf.for %scan3A_82 = %scan3A_77 to %scan3A_79 step %scan3A_80  : i32 {
      %mul3A_83 = arith.constant 5 : i32
      %mul3A_84 = arith.muli %scan3A_82, %mul3A_83 : i32
      %add3A_85 = arith.constant 0 : i32
      %add3A_86 = arith.addi %mul3A_84, %add3A_85 : i32
      %dma_wait3A = arith.constant 0 : i32
      %dma_wait3A_87 = arith.constant 0 : i32
      %dma_wait3A_88 = arith.constant 0 : i32
      %dma_wait3A_89 = arith.constant 0 : i32
      %dma_wait3A_90 = tpu.memref_slice %arg6[%dma_wait3A, %dma_wait3A_88, %dma_wait3A_89] : memref<5x128x128xf32, #tpu.memory_space<vmem>> -> memref<1x128x128xf32, #tpu.memory_space<vmem>>
      %dma_wait3A_91 = tpu.memref_squeeze %dma_wait3A_90 : memref<1x128x128xf32, #tpu.memory_space<vmem>> -> memref<128x128xf32, #tpu.memory_space<vmem>>
      %dma_wait3A_92 = arith.constant 0 : i32
      %dma_wait3A_93 = tpu.memref_slice %arg5[%add3A_86, %dma_wait3A_92] : memref<50x128xi32, #tpu.memory_space<vmem>> -> memref<1x128xi32, #tpu.memory_space<vmem>>
      %dma_wait3A_94 = tpu.memref_squeeze %dma_wait3A_93 : memref<1x128xi32, #tpu.memory_space<vmem>> -> memref<128xi32, #tpu.memory_space<vmem>>
      %dma_wait3A_95 = arith.constant 0 : i32
      %dma_wait3A_96 = arith.constant 0 : i32
      %dma_wait3A_97 = tpu.memref_slice %arg3[%dma_wait3A_95, %dma_wait3A_96] : memref<1000000x128xf32, #tpu.memory_space<hbm>> -> memref<1000000x128xf32, #tpu.memory_space<hbm>>
      %dma_wait3A_98 = tpu.memref_slice %arg7[%dma_wait3A_87] : memref<5x!tpu.dma_semaphore, #tpu.memory_space<semaphore_mem>> -> memref<1x!tpu.dma_semaphore, #tpu.memory_space<semaphore_mem>>
      %dma_wait3A_99 = tpu.memref_squeeze %dma_wait3A_98 : memref<1x!tpu.dma_semaphore, #tpu.memory_space<semaphore_mem>> -> memref<!tpu.dma_semaphore, #tpu.memory_space<semaphore_mem>>
      tpu.wait_indirect_dma semaphore(%dma_wait3A_99 : memref<!tpu.dma_semaphore, #tpu.memory_space<semaphore_mem>>) src(%dma_wait3A_97 : memref<1000000x128xf32, #tpu.memory_space<hbm>>) dst(%dma_wait3A_91 : memref<128x128xf32, #tpu.memory_space<vmem>>)
      %mul3A_100 = arith.constant 128 : i32
      %mul3A_101 = arith.muli %add3A_86, %mul3A_100 : i32
      %add3A_102 = arith.addi %mul3A_2, %mul3A_101 : i32
      %dma_start3A_103 = arith.constant 0 : i32
      %dma_start3A_104 = arith.constant 0 : i32
      %dma_start3A_105 = arith.constant 0 : i32
      %dma_start3A_106 = arith.constant 0 : i32
      %dma_start3A_107 = tpu.memref_slice %arg6[%dma_start3A_103, %dma_start3A_105, %dma_start3A_106] : memref<5x128x128xf32, #tpu.memory_space<vmem>> -> memref<1x128x128xf32, #tpu.memory_space<vmem>>
      %dma_start3A_108 = tpu.memref_squeeze %dma_start3A_107 : memref<1x128x128xf32, #tpu.memory_space<vmem>> -> memref<128x128xf32, #tpu.memory_space<vmem>>
      %dma_start3A_109 = arith.constant 0 : i32
      %dma_start3A_110 = tpu.memref_slice %arg4[%add3A_102, %dma_start3A_109] : memref<204800x128xf32, #tpu.memory_space<hbm>> -> memref<128x128xf32, #tpu.memory_space<hbm>>
      %dma_start3A_111 = tpu.memref_slice %arg8[%dma_start3A_104] : memref<5x!tpu.dma_semaphore, #tpu.memory_space<semaphore_mem>> -> memref<1x!tpu.dma_semaphore, #tpu.memory_space<semaphore_mem>>
      %dma_start3A_112 = tpu.memref_squeeze %dma_start3A_111 : memref<1x!tpu.dma_semaphore, #tpu.memory_space<semaphore_mem>> -> memref<!tpu.dma_semaphore, #tpu.memory_space<semaphore_mem>>
      %dma_start3A_113 = arith.constant 0 : i32
      %dma_start3A_114 = tpu.memref_slice %arg4[%add3A_102, %dma_start3A_113] : memref<204800x128xf32, #tpu.memory_space<hbm>> -> memref<128x128xf32, #tpu.memory_space<hbm>>
      %dma_start3A_115 = arith.constant 0 : i32
      %dma_start3A_116 = arith.constant 0 : i32
      %dma_start3A_117 = tpu.memref_slice %arg6[%dma_start3A_103, %dma_start3A_115, %dma_start3A_116] : memref<5x128x128xf32, #tpu.memory_space<vmem>> -> memref<1x128x128xf32, #tpu.memory_space<vmem>>
      %dma_start3A_118 = tpu.memref_squeeze %dma_start3A_117 : memref<1x128x128xf32, #tpu.memory_space<vmem>> -> memref<128x128xf32, #tpu.memory_space<vmem>>
      tpu.enqueue_dma source(%dma_start3A_118 : memref<128x128xf32, #tpu.memory_space<vmem>>) target(%dma_start3A_114 : memref<128x128xf32, #tpu.memory_space<hbm>>) target_semaphore(%dma_start3A_112 : memref<!tpu.dma_semaphore, #tpu.memory_space<semaphore_mem>>)
      %add3A_119 = arith.constant 1 : i32
      %add3A_120 = arith.addi %mul3A_84, %add3A_119 : i32
      %dma_wait3A_121 = arith.constant 1 : i32
      %dma_wait3A_122 = arith.constant 1 : i32
      %dma_wait3A_123 = arith.constant 0 : i32
      %dma_wait3A_124 = arith.constant 0 : i32
      %dma_wait3A_125 = tpu.memref_slice %arg6[%dma_wait3A_121, %dma_wait3A_123, %dma_wait3A_124] : memref<5x128x128xf32, #tpu.memory_space<vmem>> -> memref<1x128x128xf32, #tpu.memory_space<vmem>>
      %dma_wait3A_126 = tpu.memref_squeeze %dma_wait3A_125 : memref<1x128x128xf32, #tpu.memory_space<vmem>> -> memref<128x128xf32, #tpu.memory_space<vmem>>
      %dma_wait3A_127 = arith.constant 0 : i32
      %dma_wait3A_128 = tpu.memref_slice %arg5[%add3A_120, %dma_wait3A_127] : memref<50x128xi32, #tpu.memory_space<vmem>> -> memref<1x128xi32, #tpu.memory_space<vmem>>
      %dma_wait3A_129 = tpu.memref_squeeze %dma_wait3A_128 : memref<1x128xi32, #tpu.memory_space<vmem>> -> memref<128xi32, #tpu.memory_space<vmem>>
      %dma_wait3A_130 = arith.constant 0 : i32
      %dma_wait3A_131 = arith.constant 0 : i32
      %dma_wait3A_132 = tpu.memref_slice %arg3[%dma_wait3A_130, %dma_wait3A_131] : memref<1000000x128xf32, #tpu.memory_space<hbm>> -> memref<1000000x128xf32, #tpu.memory_space<hbm>>
      %dma_wait3A_133 = tpu.memref_slice %arg7[%dma_wait3A_122] : memref<5x!tpu.dma_semaphore, #tpu.memory_space<semaphore_mem>> -> memref<1x!tpu.dma_semaphore, #tpu.memory_space<semaphore_mem>>
      %dma_wait3A_134 = tpu.memref_squeeze %dma_wait3A_133 : memref<1x!tpu.dma_semaphore, #tpu.memory_space<semaphore_mem>> -> memref<!tpu.dma_semaphore, #tpu.memory_space<semaphore_mem>>
      tpu.wait_indirect_dma semaphore(%dma_wait3A_134 : memref<!tpu.dma_semaphore, #tpu.memory_space<semaphore_mem>>) src(%dma_wait3A_132 : memref<1000000x128xf32, #tpu.memory_space<hbm>>) dst(%dma_wait3A_126 : memref<128x128xf32, #tpu.memory_space<vmem>>)
      %mul3A_135 = arith.constant 128 : i32
      %mul3A_136 = arith.muli %add3A_120, %mul3A_135 : i32
      %add3A_137 = arith.addi %mul3A_2, %mul3A_136 : i32
      %dma_start3A_138 = arith.constant 1 : i32
      %dma_start3A_139 = arith.constant 1 : i32
      %dma_start3A_140 = arith.constant 0 : i32
      %dma_start3A_141 = arith.constant 0 : i32
      %dma_start3A_142 = tpu.memref_slice %arg6[%dma_start3A_138, %dma_start3A_140, %dma_start3A_141] : memref<5x128x128xf32, #tpu.memory_space<vmem>> -> memref<1x128x128xf32, #tpu.memory_space<vmem>>
      %dma_start3A_143 = tpu.memref_squeeze %dma_start3A_142 : memref<1x128x128xf32, #tpu.memory_space<vmem>> -> memref<128x128xf32, #tpu.memory_space<vmem>>
      %dma_start3A_144 = arith.constant 0 : i32
      %dma_start3A_145 = tpu.memref_slice %arg4[%add3A_137, %dma_start3A_144] : memref<204800x128xf32, #tpu.memory_space<hbm>> -> memref<128x128xf32, #tpu.memory_space<hbm>>
      %dma_start3A_146 = tpu.memref_slice %arg8[%dma_start3A_139] : memref<5x!tpu.dma_semaphore, #tpu.memory_space<semaphore_mem>> -> memref<1x!tpu.dma_semaphore, #tpu.memory_space<semaphore_mem>>
      %dma_start3A_147 = tpu.memref_squeeze %dma_start3A_146 : memref<1x!tpu.dma_semaphore, #tpu.memory_space<semaphore_mem>> -> memref<!tpu.dma_semaphore, #tpu.memory_space<semaphore_mem>>
      %dma_start3A_148 = arith.constant 0 : i32
      %dma_start3A_149 = tpu.memref_slice %arg4[%add3A_137, %dma_start3A_148] : memref<204800x128xf32, #tpu.memory_space<hbm>> -> memref<128x128xf32, #tpu.memory_space<hbm>>
      %dma_start3A_150 = arith.constant 0 : i32
      %dma_start3A_151 = arith.constant 0 : i32
      %dma_start3A_152 = tpu.memref_slice %arg6[%dma_start3A_138, %dma_start3A_150, %dma_start3A_151] : memref<5x128x128xf32, #tpu.memory_space<vmem>> -> memref<1x128x128xf32, #tpu.memory_space<vmem>>
      %dma_start3A_153 = tpu.memref_squeeze %dma_start3A_152 : memref<1x128x128xf32, #tpu.memory_space<vmem>> -> memref<128x128xf32, #tpu.memory_space<vmem>>
      tpu.enqueue_dma source(%dma_start3A_153 : memref<128x128xf32, #tpu.memory_space<vmem>>) target(%dma_start3A_149 : memref<128x128xf32, #tpu.memory_space<hbm>>) target_semaphore(%dma_start3A_147 : memref<!tpu.dma_semaphore, #tpu.memory_space<semaphore_mem>>)
      %add3A_154 = arith.constant 2 : i32
      %add3A_155 = arith.addi %mul3A_84, %add3A_154 : i32
      %dma_wait3A_156 = arith.constant 2 : i32
      %dma_wait3A_157 = arith.constant 2 : i32
      %dma_wait3A_158 = arith.constant 0 : i32
      %dma_wait3A_159 = arith.constant 0 : i32
      %dma_wait3A_160 = tpu.memref_slice %arg6[%dma_wait3A_156, %dma_wait3A_158, %dma_wait3A_159] : memref<5x128x128xf32, #tpu.memory_space<vmem>> -> memref<1x128x128xf32, #tpu.memory_space<vmem>>
      %dma_wait3A_161 = tpu.memref_squeeze %dma_wait3A_160 : memref<1x128x128xf32, #tpu.memory_space<vmem>> -> memref<128x128xf32, #tpu.memory_space<vmem>>
      %dma_wait3A_162 = arith.constant 0 : i32
      %dma_wait3A_163 = tpu.memref_slice %arg5[%add3A_155, %dma_wait3A_162] : memref<50x128xi32, #tpu.memory_space<vmem>> -> memref<1x128xi32, #tpu.memory_space<vmem>>
      %dma_wait3A_164 = tpu.memref_squeeze %dma_wait3A_163 : memref<1x128xi32, #tpu.memory_space<vmem>> -> memref<128xi32, #tpu.memory_space<vmem>>
      %dma_wait3A_165 = arith.constant 0 : i32
      %dma_wait3A_166 = arith.constant 0 : i32
      %dma_wait3A_167 = tpu.memref_slice %arg3[%dma_wait3A_165, %dma_wait3A_166] : memref<1000000x128xf32, #tpu.memory_space<hbm>> -> memref<1000000x128xf32, #tpu.memory_space<hbm>>
      %dma_wait3A_168 = tpu.memref_slice %arg7[%dma_wait3A_157] : memref<5x!tpu.dma_semaphore, #tpu.memory_space<semaphore_mem>> -> memref<1x!tpu.dma_semaphore, #tpu.memory_space<semaphore_mem>>
      %dma_wait3A_169 = tpu.memref_squeeze %dma_wait3A_168 : memref<1x!tpu.dma_semaphore, #tpu.memory_space<semaphore_mem>> -> memref<!tpu.dma_semaphore, #tpu.memory_space<semaphore_mem>>
      tpu.wait_indirect_dma semaphore(%dma_wait3A_169 : memref<!tpu.dma_semaphore, #tpu.memory_space<semaphore_mem>>) src(%dma_wait3A_167 : memref<1000000x128xf32, #tpu.memory_space<hbm>>) dst(%dma_wait3A_161 : memref<128x128xf32, #tpu.memory_space<vmem>>)
      %mul3A_170 = arith.constant 128 : i32
      %mul3A_171 = arith.muli %add3A_155, %mul3A_170 : i32
      %add3A_172 = arith.addi %mul3A_2, %mul3A_171 : i32
      %dma_start3A_173 = arith.constant 2 : i32
      %dma_start3A_174 = arith.constant 2 : i32
      %dma_start3A_175 = arith.constant 0 : i32
      %dma_start3A_176 = arith.constant 0 : i32
      %dma_start3A_177 = tpu.memref_slice %arg6[%dma_start3A_173, %dma_start3A_175, %dma_start3A_176] : memref<5x128x128xf32, #tpu.memory_space<vmem>> -> memref<1x128x128xf32, #tpu.memory_space<vmem>>
      %dma_start3A_178 = tpu.memref_squeeze %dma_start3A_177 : memref<1x128x128xf32, #tpu.memory_space<vmem>> -> memref<128x128xf32, #tpu.memory_space<vmem>>
      %dma_start3A_179 = arith.constant 0 : i32
      %dma_start3A_180 = tpu.memref_slice %arg4[%add3A_172, %dma_start3A_179] : memref<204800x128xf32, #tpu.memory_space<hbm>> -> memref<128x128xf32, #tpu.memory_space<hbm>>
      %dma_start3A_181 = tpu.memref_slice %arg8[%dma_start3A_174] : memref<5x!tpu.dma_semaphore, #tpu.memory_space<semaphore_mem>> -> memref<1x!tpu.dma_semaphore, #tpu.memory_space<semaphore_mem>>
      %dma_start3A_182 = tpu.memref_squeeze %dma_start3A_181 : memref<1x!tpu.dma_semaphore, #tpu.memory_space<semaphore_mem>> -> memref<!tpu.dma_semaphore, #tpu.memory_space<semaphore_mem>>
      %dma_start3A_183 = arith.constant 0 : i32
      %dma_start3A_184 = tpu.memref_slice %arg4[%add3A_172, %dma_start3A_183] : memref<204800x128xf32, #tpu.memory_space<hbm>> -> memref<128x128xf32, #tpu.memory_space<hbm>>
      %dma_start3A_185 = arith.constant 0 : i32
      %dma_start3A_186 = arith.constant 0 : i32
      %dma_start3A_187 = tpu.memref_slice %arg6[%dma_start3A_173, %dma_start3A_185, %dma_start3A_186] : memref<5x128x128xf32, #tpu.memory_space<vmem>> -> memref<1x128x128xf32, #tpu.memory_space<vmem>>
      %dma_start3A_188 = tpu.memref_squeeze %dma_start3A_187 : memref<1x128x128xf32, #tpu.memory_space<vmem>> -> memref<128x128xf32, #tpu.memory_space<vmem>>
      tpu.enqueue_dma source(%dma_start3A_188 : memref<128x128xf32, #tpu.memory_space<vmem>>) target(%dma_start3A_184 : memref<128x128xf32, #tpu.memory_space<hbm>>) target_semaphore(%dma_start3A_182 : memref<!tpu.dma_semaphore, #tpu.memory_space<semaphore_mem>>)
      %add3A_189 = arith.constant 3 : i32
      %add3A_190 = arith.addi %mul3A_84, %add3A_189 : i32
      %dma_wait3A_191 = arith.constant 3 : i32
      %dma_wait3A_192 = arith.constant 3 : i32
      %dma_wait3A_193 = arith.constant 0 : i32
      %dma_wait3A_194 = arith.constant 0 : i32
      %dma_wait3A_195 = tpu.memref_slice %arg6[%dma_wait3A_191, %dma_wait3A_193, %dma_wait3A_194] : memref<5x128x128xf32, #tpu.memory_space<vmem>> -> memref<1x128x128xf32, #tpu.memory_space<vmem>>
      %dma_wait3A_196 = tpu.memref_squeeze %dma_wait3A_195 : memref<1x128x128xf32, #tpu.memory_space<vmem>> -> memref<128x128xf32, #tpu.memory_space<vmem>>
      %dma_wait3A_197 = arith.constant 0 : i32
      %dma_wait3A_198 = tpu.memref_slice %arg5[%add3A_190, %dma_wait3A_197] : memref<50x128xi32, #tpu.memory_space<vmem>> -> memref<1x128xi32, #tpu.memory_space<vmem>>
      %dma_wait3A_199 = tpu.memref_squeeze %dma_wait3A_198 : memref<1x128xi32, #tpu.memory_space<vmem>> -> memref<128xi32, #tpu.memory_space<vmem>>
      %dma_wait3A_200 = arith.constant 0 : i32
      %dma_wait3A_201 = arith.constant 0 : i32
      %dma_wait3A_202 = tpu.memref_slice %arg3[%dma_wait3A_200, %dma_wait3A_201] : memref<1000000x128xf32, #tpu.memory_space<hbm>> -> memref<1000000x128xf32, #tpu.memory_space<hbm>>
      %dma_wait3A_203 = tpu.memref_slice %arg7[%dma_wait3A_192] : memref<5x!tpu.dma_semaphore, #tpu.memory_space<semaphore_mem>> -> memref<1x!tpu.dma_semaphore, #tpu.memory_space<semaphore_mem>>
      %dma_wait3A_204 = tpu.memref_squeeze %dma_wait3A_203 : memref<1x!tpu.dma_semaphore, #tpu.memory_space<semaphore_mem>> -> memref<!tpu.dma_semaphore, #tpu.memory_space<semaphore_mem>>
      tpu.wait_indirect_dma semaphore(%dma_wait3A_204 : memref<!tpu.dma_semaphore, #tpu.memory_space<semaphore_mem>>) src(%dma_wait3A_202 : memref<1000000x128xf32, #tpu.memory_space<hbm>>) dst(%dma_wait3A_196 : memref<128x128xf32, #tpu.memory_space<vmem>>)
      %mul3A_205 = arith.constant 128 : i32
      %mul3A_206 = arith.muli %add3A_190, %mul3A_205 : i32
      %add3A_207 = arith.addi %mul3A_2, %mul3A_206 : i32
      %dma_start3A_208 = arith.constant 3 : i32
      %dma_start3A_209 = arith.constant 3 : i32
      %dma_start3A_210 = arith.constant 0 : i32
      %dma_start3A_211 = arith.constant 0 : i32
      %dma_start3A_212 = tpu.memref_slice %arg6[%dma_start3A_208, %dma_start3A_210, %dma_start3A_211] : memref<5x128x128xf32, #tpu.memory_space<vmem>> -> memref<1x128x128xf32, #tpu.memory_space<vmem>>
      %dma_start3A_213 = tpu.memref_squeeze %dma_start3A_212 : memref<1x128x128xf32, #tpu.memory_space<vmem>> -> memref<128x128xf32, #tpu.memory_space<vmem>>
      %dma_start3A_214 = arith.constant 0 : i32
      %dma_start3A_215 = tpu.memref_slice %arg4[%add3A_207, %dma_start3A_214] : memref<204800x128xf32, #tpu.memory_space<hbm>> -> memref<128x128xf32, #tpu.memory_space<hbm>>
      %dma_start3A_216 = tpu.memref_slice %arg8[%dma_start3A_209] : memref<5x!tpu.dma_semaphore, #tpu.memory_space<semaphore_mem>> -> memref<1x!tpu.dma_semaphore, #tpu.memory_space<semaphore_mem>>
      %dma_start3A_217 = tpu.memref_squeeze %dma_start3A_216 : memref<1x!tpu.dma_semaphore, #tpu.memory_space<semaphore_mem>> -> memref<!tpu.dma_semaphore, #tpu.memory_space<semaphore_mem>>
      %dma_start3A_218 = arith.constant 0 : i32
      %dma_start3A_219 = tpu.memref_slice %arg4[%add3A_207, %dma_start3A_218] : memref<204800x128xf32, #tpu.memory_space<hbm>> -> memref<128x128xf32, #tpu.memory_space<hbm>>
      %dma_start3A_220 = arith.constant 0 : i32
      %dma_start3A_221 = arith.constant 0 : i32
      %dma_start3A_222 = tpu.memref_slice %arg6[%dma_start3A_208, %dma_start3A_220, %dma_start3A_221] : memref<5x128x128xf32, #tpu.memory_space<vmem>> -> memref<1x128x128xf32, #tpu.memory_space<vmem>>
      %dma_start3A_223 = tpu.memref_squeeze %dma_start3A_222 : memref<1x128x128xf32, #tpu.memory_space<vmem>> -> memref<128x128xf32, #tpu.memory_space<vmem>>
      tpu.enqueue_dma source(%dma_start3A_223 : memref<128x128xf32, #tpu.memory_space<vmem>>) target(%dma_start3A_219 : memref<128x128xf32, #tpu.memory_space<hbm>>) target_semaphore(%dma_start3A_217 : memref<!tpu.dma_semaphore, #tpu.memory_space<semaphore_mem>>)
      %add3A_224 = arith.constant 4 : i32
      %add3A_225 = arith.addi %mul3A_84, %add3A_224 : i32
      %dma_wait3A_226 = arith.constant 4 : i32
      %dma_wait3A_227 = arith.constant 4 : i32
      %dma_wait3A_228 = arith.constant 0 : i32
      %dma_wait3A_229 = arith.constant 0 : i32
      %dma_wait3A_230 = tpu.memref_slice %arg6[%dma_wait3A_226, %dma_wait3A_228, %dma_wait3A_229] : memref<5x128x128xf32, #tpu.memory_space<vmem>> -> memref<1x128x128xf32, #tpu.memory_space<vmem>>
      %dma_wait3A_231 = tpu.memref_squeeze %dma_wait3A_230 : memref<1x128x128xf32, #tpu.memory_space<vmem>> -> memref<128x128xf32, #tpu.memory_space<vmem>>
      %dma_wait3A_232 = arith.constant 0 : i32
      %dma_wait3A_233 = tpu.memref_slice %arg5[%add3A_225, %dma_wait3A_232] : memref<50x128xi32, #tpu.memory_space<vmem>> -> memref<1x128xi32, #tpu.memory_space<vmem>>
      %dma_wait3A_234 = tpu.memref_squeeze %dma_wait3A_233 : memref<1x128xi32, #tpu.memory_space<vmem>> -> memref<128xi32, #tpu.memory_space<vmem>>
      %dma_wait3A_235 = arith.constant 0 : i32
      %dma_wait3A_236 = arith.constant 0 : i32
      %dma_wait3A_237 = tpu.memref_slice %arg3[%dma_wait3A_235, %dma_wait3A_236] : memref<1000000x128xf32, #tpu.memory_space<hbm>> -> memref<1000000x128xf32, #tpu.memory_space<hbm>>
      %dma_wait3A_238 = tpu.memref_slice %arg7[%dma_wait3A_227] : memref<5x!tpu.dma_semaphore, #tpu.memory_space<semaphore_mem>> -> memref<1x!tpu.dma_semaphore, #tpu.memory_space<semaphore_mem>>
      %dma_wait3A_239 = tpu.memref_squeeze %dma_wait3A_238 : memref<1x!tpu.dma_semaphore, #tpu.memory_space<semaphore_mem>> -> memref<!tpu.dma_semaphore, #tpu.memory_space<semaphore_mem>>
      tpu.wait_indirect_dma semaphore(%dma_wait3A_239 : memref<!tpu.dma_semaphore, #tpu.memory_space<semaphore_mem>>) src(%dma_wait3A_237 : memref<1000000x128xf32, #tpu.memory_space<hbm>>) dst(%dma_wait3A_231 : memref<128x128xf32, #tpu.memory_space<vmem>>)
      %mul3A_240 = arith.constant 128 : i32
      %mul3A_241 = arith.muli %add3A_225, %mul3A_240 : i32
      %add3A_242 = arith.addi %mul3A_2, %mul3A_241 : i32
      %dma_start3A_243 = arith.constant 4 : i32
      %dma_start3A_244 = arith.constant 4 : i32
      %dma_start3A_245 = arith.constant 0 : i32
      %dma_start3A_246 = arith.constant 0 : i32
      %dma_start3A_247 = tpu.memref_slice %arg6[%dma_start3A_243, %dma_start3A_245, %dma_start3A_246] : memref<5x128x128xf32, #tpu.memory_space<vmem>> -> memref<1x128x128xf32, #tpu.memory_space<vmem>>
      %dma_start3A_248 = tpu.memref_squeeze %dma_start3A_247 : memref<1x128x128xf32, #tpu.memory_space<vmem>> -> memref<128x128xf32, #tpu.memory_space<vmem>>
      %dma_start3A_249 = arith.constant 0 : i32
      %dma_start3A_250 = tpu.memref_slice %arg4[%add3A_242, %dma_start3A_249] : memref<204800x128xf32, #tpu.memory_space<hbm>> -> memref<128x128xf32, #tpu.memory_space<hbm>>
      %dma_start3A_251 = tpu.memref_slice %arg8[%dma_start3A_244] : memref<5x!tpu.dma_semaphore, #tpu.memory_space<semaphore_mem>> -> memref<1x!tpu.dma_semaphore, #tpu.memory_space<semaphore_mem>>
      %dma_start3A_252 = tpu.memref_squeeze %dma_start3A_251 : memref<1x!tpu.dma_semaphore, #tpu.memory_space<semaphore_mem>> -> memref<!tpu.dma_semaphore, #tpu.memory_space<semaphore_mem>>
      %dma_start3A_253 = arith.constant 0 : i32
      %dma_start3A_254 = tpu.memref_slice %arg4[%add3A_242, %dma_start3A_253] : memref<204800x128xf32, #tpu.memory_space<hbm>> -> memref<128x128xf32, #tpu.memory_space<hbm>>
      %dma_start3A_255 = arith.constant 0 : i32
      %dma_start3A_256 = arith.constant 0 : i32
      %dma_start3A_257 = tpu.memref_slice %arg6[%dma_start3A_243, %dma_start3A_255, %dma_start3A_256] : memref<5x128x128xf32, #tpu.memory_space<vmem>> -> memref<1x128x128xf32, #tpu.memory_space<vmem>>
      %dma_start3A_258 = tpu.memref_squeeze %dma_start3A_257 : memref<1x128x128xf32, #tpu.memory_space<vmem>> -> memref<128x128xf32, #tpu.memory_space<vmem>>
      tpu.enqueue_dma source(%dma_start3A_258 : memref<128x128xf32, #tpu.memory_space<vmem>>) target(%dma_start3A_254 : memref<128x128xf32, #tpu.memory_space<hbm>>) target_semaphore(%dma_start3A_252 : memref<!tpu.dma_semaphore, #tpu.memory_space<semaphore_mem>>)
      %add3A_259 = arith.constant 0 : i32
      %add3A_260 = arith.addi %mul3A_84, %add3A_259 : i32
      %mul3A_261 = arith.constant 128 : i32
      %mul3A_262 = arith.muli %add3A_260, %mul3A_261 : i32
      %add3A_263 = arith.addi %mul3A_2, %mul3A_262 : i32
      %dma_wait3A_264 = arith.constant 0 : i32
      %dma_wait3A_265 = arith.constant 0 : i32
      %dma_wait3A_266 = arith.constant 0 : i32
      %dma_wait3A_267 = arith.constant 0 : i32
      %dma_wait3A_268 = tpu.memref_slice %arg6[%dma_wait3A_264, %dma_wait3A_266, %dma_wait3A_267] : memref<5x128x128xf32, #tpu.memory_space<vmem>> -> memref<1x128x128xf32, #tpu.memory_space<vmem>>
      %dma_wait3A_269 = tpu.memref_squeeze %dma_wait3A_268 : memref<1x128x128xf32, #tpu.memory_space<vmem>> -> memref<128x128xf32, #tpu.memory_space<vmem>>
      %dma_wait3A_270 = arith.constant 0 : i32
      %dma_wait3A_271 = tpu.memref_slice %arg4[%add3A_263, %dma_wait3A_270] : memref<204800x128xf32, #tpu.memory_space<hbm>> -> memref<128x128xf32, #tpu.memory_space<hbm>>
      %dma_wait3A_272 = tpu.memref_slice %arg8[%dma_wait3A_265] : memref<5x!tpu.dma_semaphore, #tpu.memory_space<semaphore_mem>> -> memref<1x!tpu.dma_semaphore, #tpu.memory_space<semaphore_mem>>
      %dma_wait3A_273 = tpu.memref_squeeze %dma_wait3A_272 : memref<1x!tpu.dma_semaphore, #tpu.memory_space<semaphore_mem>> -> memref<!tpu.dma_semaphore, #tpu.memory_space<semaphore_mem>>
      %dma_wait3A_274 = arith.constant 0 : i32
      %dma_wait3A_275 = tpu.memref_slice %arg4[%add3A_263, %dma_wait3A_274] : memref<204800x128xf32, #tpu.memory_space<hbm>> -> memref<128x128xf32, #tpu.memory_space<hbm>>
      %dma_wait3A_276 = arith.constant 0 : i32
      %dma_wait3A_277 = arith.constant 0 : i32
      %dma_wait3A_278 = tpu.memref_slice %arg6[%dma_wait3A_264, %dma_wait3A_276, %dma_wait3A_277] : memref<5x128x128xf32, #tpu.memory_space<vmem>> -> memref<1x128x128xf32, #tpu.memory_space<vmem>>
      %dma_wait3A_279 = tpu.memref_squeeze %dma_wait3A_278 : memref<1x128x128xf32, #tpu.memory_space<vmem>> -> memref<128x128xf32, #tpu.memory_space<vmem>>
      tpu.wait_dma2 semaphore(%dma_wait3A_273 : memref<!tpu.dma_semaphore, #tpu.memory_space<semaphore_mem>>) src(%dma_wait3A_279 : memref<128x128xf32, #tpu.memory_space<vmem>>) dst(%dma_wait3A_275 : memref<128x128xf32, #tpu.memory_space<hbm>>)
      %add3A_280 = arith.constant 1 : i32
      %add3A_281 = arith.addi %scan3A_82, %add3A_280 : i32
      %lt3A = arith.constant 10 : i32
      %lt3A_282 = arith.cmpi slt, %add3A_281, %lt3A : i32
      %convert_element_type3A = arith.extui %lt3A_282 : i1 to i32
      %cond3A = arith.constant 0 : i32
      %cond3A_283 = arith.cmpi ne, %convert_element_type3A, %cond3A : i32
      scf.if %cond3A_283 {
        %add3A_396 = arith.constant 5 : i32
        %add3A_397 = arith.addi %add3A_260, %add3A_396 : i32
        %dma_start3A_398 = arith.constant 0 : i32
        %dma_start3A_399 = arith.constant 0 : i32
        %dma_start3A_400 = arith.constant 0 : i32
        %dma_start3A_401 = arith.constant 0 : i32
        %dma_start3A_402 = tpu.memref_slice %arg6[%dma_start3A_398, %dma_start3A_400, %dma_start3A_401] : memref<5x128x128xf32, #tpu.memory_space<vmem>> -> memref<1x128x128xf32, #tpu.memory_space<vmem>>
        %dma_start3A_403 = tpu.memref_squeeze %dma_start3A_402 : memref<1x128x128xf32, #tpu.memory_space<vmem>> -> memref<128x128xf32, #tpu.memory_space<vmem>>
        %dma_start3A_404 = arith.constant 0 : i32
        %dma_start3A_405 = tpu.memref_slice %arg5[%add3A_397, %dma_start3A_404] : memref<50x128xi32, #tpu.memory_space<vmem>> -> memref<1x128xi32, #tpu.memory_space<vmem>>
        %dma_start3A_406 = tpu.memref_squeeze %dma_start3A_405 : memref<1x128xi32, #tpu.memory_space<vmem>> -> memref<128xi32, #tpu.memory_space<vmem>>
        %dma_start3A_407 = arith.constant 0 : i32
        %dma_start3A_408 = arith.constant 0 : i32
        %dma_start3A_409 = tpu.memref_slice %arg3[%dma_start3A_407, %dma_start3A_408] : memref<1000000x128xf32, #tpu.memory_space<hbm>> -> memref<1000000x128xf32, #tpu.memory_space<hbm>>
        %dma_start3A_410 = tpu.memref_slice %arg7[%dma_start3A_399] : memref<5x!tpu.dma_semaphore, #tpu.memory_space<semaphore_mem>> -> memref<1x!tpu.dma_semaphore, #tpu.memory_space<semaphore_mem>>
        %dma_start3A_411 = tpu.memref_squeeze %dma_start3A_410 : memref<1x!tpu.dma_semaphore, #tpu.memory_space<semaphore_mem>> -> memref<!tpu.dma_semaphore, #tpu.memory_space<semaphore_mem>>
        tpu.enqueue_indirect_dma source(%dma_start3A_409 : memref<1000000x128xf32, #tpu.memory_space<hbm>>) target(%dma_start3A_403 : memref<128x128xf32, #tpu.memory_space<vmem>>) offsets(%dma_start3A_406 : memref<128xi32, #tpu.memory_space<vmem>>) semaphore(%dma_start3A_411 : memref<!tpu.dma_semaphore, #tpu.memory_space<semaphore_mem>>)
      } else {
      }
      %add3A_284 = arith.constant 1 : i32
      %add3A_285 = arith.addi %mul3A_84, %add3A_284 : i32
      %mul3A_286 = arith.constant 128 : i32
      %mul3A_287 = arith.muli %add3A_285, %mul3A_286 : i32
      %add3A_288 = arith.addi %mul3A_2, %mul3A_287 : i32
      %dma_wait3A_289 = arith.constant 1 : i32
      %dma_wait3A_290 = arith.constant 1 : i32
      %dma_wait3A_291 = arith.constant 0 : i32
      %dma_wait3A_292 = arith.constant 0 : i32
      %dma_wait3A_293 = tpu.memref_slice %arg6[%dma_wait3A_289, %dma_wait3A_291, %dma_wait3A_292] : memref<5x128x128xf32, #tpu.memory_space<vmem>> -> memref<1x128x128xf32, #tpu.memory_space<vmem>>
      %dma_wait3A_294 = tpu.memref_squeeze %dma_wait3A_293 : memref<1x128x128xf32, #tpu.memory_space<vmem>> -> memref<128x128xf32, #tpu.memory_space<vmem>>
      %dma_wait3A_295 = arith.constant 0 : i32
      %dma_wait3A_296 = tpu.memref_slice %arg4[%add3A_288, %dma_wait3A_295] : memref<204800x128xf32, #tpu.memory_space<hbm>> -> memref<128x128xf32, #tpu.memory_space<hbm>>
      %dma_wait3A_297 = tpu.memref_slice %arg8[%dma_wait3A_290] : memref<5x!tpu.dma_semaphore, #tpu.memory_space<semaphore_mem>> -> memref<1x!tpu.dma_semaphore, #tpu.memory_space<semaphore_mem>>
      %dma_wait3A_298 = tpu.memref_squeeze %dma_wait3A_297 : memref<1x!tpu.dma_semaphore, #tpu.memory_space<semaphore_mem>> -> memref<!tpu.dma_semaphore, #tpu.memory_space<semaphore_mem>>
      %dma_wait3A_299 = arith.constant 0 : i32
      %dma_wait3A_300 = tpu.memref_slice %arg4[%add3A_288, %dma_wait3A_299] : memref<204800x128xf32, #tpu.memory_space<hbm>> -> memref<128x128xf32, #tpu.memory_space<hbm>>
      %dma_wait3A_301 = arith.constant 0 : i32
      %dma_wait3A_302 = arith.constant 0 : i32
      %dma_wait3A_303 = tpu.memref_slice %arg6[%dma_wait3A_289, %dma_wait3A_301, %dma_wait3A_302] : memref<5x128x128xf32, #tpu.memory_space<vmem>> -> memref<1x128x128xf32, #tpu.memory_space<vmem>>
      %dma_wait3A_304 = tpu.memref_squeeze %dma_wait3A_303 : memref<1x128x128xf32, #tpu.memory_space<vmem>> -> memref<128x128xf32, #tpu.memory_space<vmem>>
      tpu.wait_dma2 semaphore(%dma_wait3A_298 : memref<!tpu.dma_semaphore, #tpu.memory_space<semaphore_mem>>) src(%dma_wait3A_304 : memref<128x128xf32, #tpu.memory_space<vmem>>) dst(%dma_wait3A_300 : memref<128x128xf32, #tpu.memory_space<hbm>>)
      %add3A_305 = arith.constant 1 : i32
      %add3A_306 = arith.addi %scan3A_82, %add3A_305 : i32
      %lt3A_307 = arith.constant 10 : i32
      %lt3A_308 = arith.cmpi slt, %add3A_306, %lt3A_307 : i32
      %convert_element_type3A_309 = arith.extui %lt3A_308 : i1 to i32
      %cond3A_310 = arith.constant 0 : i32
      %cond3A_311 = arith.cmpi ne, %convert_element_type3A_309, %cond3A_310 : i32
      scf.if %cond3A_311 {
        %add3A_396 = arith.constant 5 : i32
        %add3A_397 = arith.addi %add3A_285, %add3A_396 : i32
        %dma_start3A_398 = arith.constant 1 : i32
        %dma_start3A_399 = arith.constant 1 : i32
        %dma_start3A_400 = arith.constant 0 : i32
        %dma_start3A_401 = arith.constant 0 : i32
        %dma_start3A_402 = tpu.memref_slice %arg6[%dma_start3A_398, %dma_start3A_400, %dma_start3A_401] : memref<5x128x128xf32, #tpu.memory_space<vmem>> -> memref<1x128x128xf32, #tpu.memory_space<vmem>>
        %dma_start3A_403 = tpu.memref_squeeze %dma_start3A_402 : memref<1x128x128xf32, #tpu.memory_space<vmem>> -> memref<128x128xf32, #tpu.memory_space<vmem>>
        %dma_start3A_404 = arith.constant 0 : i32
        %dma_start3A_405 = tpu.memref_slice %arg5[%add3A_397, %dma_start3A_404] : memref<50x128xi32, #tpu.memory_space<vmem>> -> memref<1x128xi32, #tpu.memory_space<vmem>>
        %dma_start3A_406 = tpu.memref_squeeze %dma_start3A_405 : memref<1x128xi32, #tpu.memory_space<vmem>> -> memref<128xi32, #tpu.memory_space<vmem>>
        %dma_start3A_407 = arith.constant 0 : i32
        %dma_start3A_408 = arith.constant 0 : i32
        %dma_start3A_409 = tpu.memref_slice %arg3[%dma_start3A_407, %dma_start3A_408] : memref<1000000x128xf32, #tpu.memory_space<hbm>> -> memref<1000000x128xf32, #tpu.memory_space<hbm>>
        %dma_start3A_410 = tpu.memref_slice %arg7[%dma_start3A_399] : memref<5x!tpu.dma_semaphore, #tpu.memory_space<semaphore_mem>> -> memref<1x!tpu.dma_semaphore, #tpu.memory_space<semaphore_mem>>
        %dma_start3A_411 = tpu.memref_squeeze %dma_start3A_410 : memref<1x!tpu.dma_semaphore, #tpu.memory_space<semaphore_mem>> -> memref<!tpu.dma_semaphore, #tpu.memory_space<semaphore_mem>>
        tpu.enqueue_indirect_dma source(%dma_start3A_409 : memref<1000000x128xf32, #tpu.memory_space<hbm>>) target(%dma_start3A_403 : memref<128x128xf32, #tpu.memory_space<vmem>>) offsets(%dma_start3A_406 : memref<128xi32, #tpu.memory_space<vmem>>) semaphore(%dma_start3A_411 : memref<!tpu.dma_semaphore, #tpu.memory_space<semaphore_mem>>)
      } else {
      }
      %add3A_312 = arith.constant 2 : i32
      %add3A_313 = arith.addi %mul3A_84, %add3A_312 : i32
      %mul3A_314 = arith.constant 128 : i32
      %mul3A_315 = arith.muli %add3A_313, %mul3A_314 : i32
      %add3A_316 = arith.addi %mul3A_2, %mul3A_315 : i32
      %dma_wait3A_317 = arith.constant 2 : i32
      %dma_wait3A_318 = arith.constant 2 : i32
      %dma_wait3A_319 = arith.constant 0 : i32
      %dma_wait3A_320 = arith.constant 0 : i32
      %dma_wait3A_321 = tpu.memref_slice %arg6[%dma_wait3A_317, %dma_wait3A_319, %dma_wait3A_320] : memref<5x128x128xf32, #tpu.memory_space<vmem>> -> memref<1x128x128xf32, #tpu.memory_space<vmem>>
      %dma_wait3A_322 = tpu.memref_squeeze %dma_wait3A_321 : memref<1x128x128xf32, #tpu.memory_space<vmem>> -> memref<128x128xf32, #tpu.memory_space<vmem>>
      %dma_wait3A_323 = arith.constant 0 : i32
      %dma_wait3A_324 = tpu.memref_slice %arg4[%add3A_316, %dma_wait3A_323] : memref<204800x128xf32, #tpu.memory_space<hbm>> -> memref<128x128xf32, #tpu.memory_space<hbm>>
      %dma_wait3A_325 = tpu.memref_slice %arg8[%dma_wait3A_318] : memref<5x!tpu.dma_semaphore, #tpu.memory_space<semaphore_mem>> -> memref<1x!tpu.dma_semaphore, #tpu.memory_space<semaphore_mem>>
      %dma_wait3A_326 = tpu.memref_squeeze %dma_wait3A_325 : memref<1x!tpu.dma_semaphore, #tpu.memory_space<semaphore_mem>> -> memref<!tpu.dma_semaphore, #tpu.memory_space<semaphore_mem>>
      %dma_wait3A_327 = arith.constant 0 : i32
      %dma_wait3A_328 = tpu.memref_slice %arg4[%add3A_316, %dma_wait3A_327] : memref<204800x128xf32, #tpu.memory_space<hbm>> -> memref<128x128xf32, #tpu.memory_space<hbm>>
      %dma_wait3A_329 = arith.constant 0 : i32
      %dma_wait3A_330 = arith.constant 0 : i32
      %dma_wait3A_331 = tpu.memref_slice %arg6[%dma_wait3A_317, %dma_wait3A_329, %dma_wait3A_330] : memref<5x128x128xf32, #tpu.memory_space<vmem>> -> memref<1x128x128xf32, #tpu.memory_space<vmem>>
      %dma_wait3A_332 = tpu.memref_squeeze %dma_wait3A_331 : memref<1x128x128xf32, #tpu.memory_space<vmem>> -> memref<128x128xf32, #tpu.memory_space<vmem>>
      tpu.wait_dma2 semaphore(%dma_wait3A_326 : memref<!tpu.dma_semaphore, #tpu.memory_space<semaphore_mem>>) src(%dma_wait3A_332 : memref<128x128xf32, #tpu.memory_space<vmem>>) dst(%dma_wait3A_328 : memref<128x128xf32, #tpu.memory_space<hbm>>)
      %add3A_333 = arith.constant 1 : i32
      %add3A_334 = arith.addi %scan3A_82, %add3A_333 : i32
      %lt3A_335 = arith.constant 10 : i32
      %lt3A_336 = arith.cmpi slt, %add3A_334, %lt3A_335 : i32
      %convert_element_type3A_337 = arith.extui %lt3A_336 : i1 to i32
      %cond3A_338 = arith.constant 0 : i32
      %cond3A_339 = arith.cmpi ne, %convert_element_type3A_337, %cond3A_338 : i32
      scf.if %cond3A_339 {
        %add3A_396 = arith.constant 5 : i32
        %add3A_397 = arith.addi %add3A_313, %add3A_396 : i32
        %dma_start3A_398 = arith.constant 2 : i32
        %dma_start3A_399 = arith.constant 2 : i32
        %dma_start3A_400 = arith.constant 0 : i32
        %dma_start3A_401 = arith.constant 0 : i32
        %dma_start3A_402 = tpu.memref_slice %arg6[%dma_start3A_398, %dma_start3A_400, %dma_start3A_401] : memref<5x128x128xf32, #tpu.memory_space<vmem>> -> memref<1x128x128xf32, #tpu.memory_space<vmem>>
        %dma_start3A_403 = tpu.memref_squeeze %dma_start3A_402 : memref<1x128x128xf32, #tpu.memory_space<vmem>> -> memref<128x128xf32, #tpu.memory_space<vmem>>
        %dma_start3A_404 = arith.constant 0 : i32
        %dma_start3A_405 = tpu.memref_slice %arg5[%add3A_397, %dma_start3A_404] : memref<50x128xi32, #tpu.memory_space<vmem>> -> memref<1x128xi32, #tpu.memory_space<vmem>>
        %dma_start3A_406 = tpu.memref_squeeze %dma_start3A_405 : memref<1x128xi32, #tpu.memory_space<vmem>> -> memref<128xi32, #tpu.memory_space<vmem>>
        %dma_start3A_407 = arith.constant 0 : i32
        %dma_start3A_408 = arith.constant 0 : i32
        %dma_start3A_409 = tpu.memref_slice %arg3[%dma_start3A_407, %dma_start3A_408] : memref<1000000x128xf32, #tpu.memory_space<hbm>> -> memref<1000000x128xf32, #tpu.memory_space<hbm>>
        %dma_start3A_410 = tpu.memref_slice %arg7[%dma_start3A_399] : memref<5x!tpu.dma_semaphore, #tpu.memory_space<semaphore_mem>> -> memref<1x!tpu.dma_semaphore, #tpu.memory_space<semaphore_mem>>
        %dma_start3A_411 = tpu.memref_squeeze %dma_start3A_410 : memref<1x!tpu.dma_semaphore, #tpu.memory_space<semaphore_mem>> -> memref<!tpu.dma_semaphore, #tpu.memory_space<semaphore_mem>>
        tpu.enqueue_indirect_dma source(%dma_start3A_409 : memref<1000000x128xf32, #tpu.memory_space<hbm>>) target(%dma_start3A_403 : memref<128x128xf32, #tpu.memory_space<vmem>>) offsets(%dma_start3A_406 : memref<128xi32, #tpu.memory_space<vmem>>) semaphore(%dma_start3A_411 : memref<!tpu.dma_semaphore, #tpu.memory_space<semaphore_mem>>)
      } else {
      }
      %add3A_340 = arith.constant 3 : i32
      %add3A_341 = arith.addi %mul3A_84, %add3A_340 : i32
      %mul3A_342 = arith.constant 128 : i32
      %mul3A_343 = arith.muli %add3A_341, %mul3A_342 : i32
      %add3A_344 = arith.addi %mul3A_2, %mul3A_343 : i32
      %dma_wait3A_345 = arith.constant 3 : i32
      %dma_wait3A_346 = arith.constant 3 : i32
      %dma_wait3A_347 = arith.constant 0 : i32
      %dma_wait3A_348 = arith.constant 0 : i32
      %dma_wait3A_349 = tpu.memref_slice %arg6[%dma_wait3A_345, %dma_wait3A_347, %dma_wait3A_348] : memref<5x128x128xf32, #tpu.memory_space<vmem>> -> memref<1x128x128xf32, #tpu.memory_space<vmem>>
      %dma_wait3A_350 = tpu.memref_squeeze %dma_wait3A_349 : memref<1x128x128xf32, #tpu.memory_space<vmem>> -> memref<128x128xf32, #tpu.memory_space<vmem>>
      %dma_wait3A_351 = arith.constant 0 : i32
      %dma_wait3A_352 = tpu.memref_slice %arg4[%add3A_344, %dma_wait3A_351] : memref<204800x128xf32, #tpu.memory_space<hbm>> -> memref<128x128xf32, #tpu.memory_space<hbm>>
      %dma_wait3A_353 = tpu.memref_slice %arg8[%dma_wait3A_346] : memref<5x!tpu.dma_semaphore, #tpu.memory_space<semaphore_mem>> -> memref<1x!tpu.dma_semaphore, #tpu.memory_space<semaphore_mem>>
      %dma_wait3A_354 = tpu.memref_squeeze %dma_wait3A_353 : memref<1x!tpu.dma_semaphore, #tpu.memory_space<semaphore_mem>> -> memref<!tpu.dma_semaphore, #tpu.memory_space<semaphore_mem>>
      %dma_wait3A_355 = arith.constant 0 : i32
      %dma_wait3A_356 = tpu.memref_slice %arg4[%add3A_344, %dma_wait3A_355] : memref<204800x128xf32, #tpu.memory_space<hbm>> -> memref<128x128xf32, #tpu.memory_space<hbm>>
      %dma_wait3A_357 = arith.constant 0 : i32
      %dma_wait3A_358 = arith.constant 0 : i32
      %dma_wait3A_359 = tpu.memref_slice %arg6[%dma_wait3A_345, %dma_wait3A_357, %dma_wait3A_358] : memref<5x128x128xf32, #tpu.memory_space<vmem>> -> memref<1x128x128xf32, #tpu.memory_space<vmem>>
      %dma_wait3A_360 = tpu.memref_squeeze %dma_wait3A_359 : memref<1x128x128xf32, #tpu.memory_space<vmem>> -> memref<128x128xf32, #tpu.memory_space<vmem>>
      tpu.wait_dma2 semaphore(%dma_wait3A_354 : memref<!tpu.dma_semaphore, #tpu.memory_space<semaphore_mem>>) src(%dma_wait3A_360 : memref<128x128xf32, #tpu.memory_space<vmem>>) dst(%dma_wait3A_356 : memref<128x128xf32, #tpu.memory_space<hbm>>)
      %add3A_361 = arith.constant 1 : i32
      %add3A_362 = arith.addi %scan3A_82, %add3A_361 : i32
      %lt3A_363 = arith.constant 10 : i32
      %lt3A_364 = arith.cmpi slt, %add3A_362, %lt3A_363 : i32
      %convert_element_type3A_365 = arith.extui %lt3A_364 : i1 to i32
      %cond3A_366 = arith.constant 0 : i32
      %cond3A_367 = arith.cmpi ne, %convert_element_type3A_365, %cond3A_366 : i32
      scf.if %cond3A_367 {
        %add3A_396 = arith.constant 5 : i32
        %add3A_397 = arith.addi %add3A_341, %add3A_396 : i32
        %dma_start3A_398 = arith.constant 3 : i32
        %dma_start3A_399 = arith.constant 3 : i32
        %dma_start3A_400 = arith.constant 0 : i32
        %dma_start3A_401 = arith.constant 0 : i32
        %dma_start3A_402 = tpu.memref_slice %arg6[%dma_start3A_398, %dma_start3A_400, %dma_start3A_401] : memref<5x128x128xf32, #tpu.memory_space<vmem>> -> memref<1x128x128xf32, #tpu.memory_space<vmem>>
        %dma_start3A_403 = tpu.memref_squeeze %dma_start3A_402 : memref<1x128x128xf32, #tpu.memory_space<vmem>> -> memref<128x128xf32, #tpu.memory_space<vmem>>
        %dma_start3A_404 = arith.constant 0 : i32
        %dma_start3A_405 = tpu.memref_slice %arg5[%add3A_397, %dma_start3A_404] : memref<50x128xi32, #tpu.memory_space<vmem>> -> memref<1x128xi32, #tpu.memory_space<vmem>>
        %dma_start3A_406 = tpu.memref_squeeze %dma_start3A_405 : memref<1x128xi32, #tpu.memory_space<vmem>> -> memref<128xi32, #tpu.memory_space<vmem>>
        %dma_start3A_407 = arith.constant 0 : i32
        %dma_start3A_408 = arith.constant 0 : i32
        %dma_start3A_409 = tpu.memref_slice %arg3[%dma_start3A_407, %dma_start3A_408] : memref<1000000x128xf32, #tpu.memory_space<hbm>> -> memref<1000000x128xf32, #tpu.memory_space<hbm>>
        %dma_start3A_410 = tpu.memref_slice %arg7[%dma_start3A_399] : memref<5x!tpu.dma_semaphore, #tpu.memory_space<semaphore_mem>> -> memref<1x!tpu.dma_semaphore, #tpu.memory_space<semaphore_mem>>
        %dma_start3A_411 = tpu.memref_squeeze %dma_start3A_410 : memref<1x!tpu.dma_semaphore, #tpu.memory_space<semaphore_mem>> -> memref<!tpu.dma_semaphore, #tpu.memory_space<semaphore_mem>>
        tpu.enqueue_indirect_dma source(%dma_start3A_409 : memref<1000000x128xf32, #tpu.memory_space<hbm>>) target(%dma_start3A_403 : memref<128x128xf32, #tpu.memory_space<vmem>>) offsets(%dma_start3A_406 : memref<128xi32, #tpu.memory_space<vmem>>) semaphore(%dma_start3A_411 : memref<!tpu.dma_semaphore, #tpu.memory_space<semaphore_mem>>)
      } else {
      }
      %add3A_368 = arith.constant 4 : i32
      %add3A_369 = arith.addi %mul3A_84, %add3A_368 : i32
      %mul3A_370 = arith.constant 128 : i32
      %mul3A_371 = arith.muli %add3A_369, %mul3A_370 : i32
      %add3A_372 = arith.addi %mul3A_2, %mul3A_371 : i32
      %dma_wait3A_373 = arith.constant 4 : i32
      %dma_wait3A_374 = arith.constant 4 : i32
      %dma_wait3A_375 = arith.constant 0 : i32
      %dma_wait3A_376 = arith.constant 0 : i32
      %dma_wait3A_377 = tpu.memref_slice %arg6[%dma_wait3A_373, %dma_wait3A_375, %dma_wait3A_376] : memref<5x128x128xf32, #tpu.memory_space<vmem>> -> memref<1x128x128xf32, #tpu.memory_space<vmem>>
      %dma_wait3A_378 = tpu.memref_squeeze %dma_wait3A_377 : memref<1x128x128xf32, #tpu.memory_space<vmem>> -> memref<128x128xf32, #tpu.memory_space<vmem>>
      %dma_wait3A_379 = arith.constant 0 : i32
      %dma_wait3A_380 = tpu.memref_slice %arg4[%add3A_372, %dma_wait3A_379] : memref<204800x128xf32, #tpu.memory_space<hbm>> -> memref<128x128xf32, #tpu.memory_space<hbm>>
      %dma_wait3A_381 = tpu.memref_slice %arg8[%dma_wait3A_374] : memref<5x!tpu.dma_semaphore, #tpu.memory_space<semaphore_mem>> -> memref<1x!tpu.dma_semaphore, #tpu.memory_space<semaphore_mem>>
      %dma_wait3A_382 = tpu.memref_squeeze %dma_wait3A_381 : memref<1x!tpu.dma_semaphore, #tpu.memory_space<semaphore_mem>> -> memref<!tpu.dma_semaphore, #tpu.memory_space<semaphore_mem>>
      %dma_wait3A_383 = arith.constant 0 : i32
      %dma_wait3A_384 = tpu.memref_slice %arg4[%add3A_372, %dma_wait3A_383] : memref<204800x128xf32, #tpu.memory_space<hbm>> -> memref<128x128xf32, #tpu.memory_space<hbm>>
      %dma_wait3A_385 = arith.constant 0 : i32
      %dma_wait3A_386 = arith.constant 0 : i32
      %dma_wait3A_387 = tpu.memref_slice %arg6[%dma_wait3A_373, %dma_wait3A_385, %dma_wait3A_386] : memref<5x128x128xf32, #tpu.memory_space<vmem>> -> memref<1x128x128xf32, #tpu.memory_space<vmem>>
      %dma_wait3A_388 = tpu.memref_squeeze %dma_wait3A_387 : memref<1x128x128xf32, #tpu.memory_space<vmem>> -> memref<128x128xf32, #tpu.memory_space<vmem>>
      tpu.wait_dma2 semaphore(%dma_wait3A_382 : memref<!tpu.dma_semaphore, #tpu.memory_space<semaphore_mem>>) src(%dma_wait3A_388 : memref<128x128xf32, #tpu.memory_space<vmem>>) dst(%dma_wait3A_384 : memref<128x128xf32, #tpu.memory_space<hbm>>)
      %add3A_389 = arith.constant 1 : i32
      %add3A_390 = arith.addi %scan3A_82, %add3A_389 : i32
      %lt3A_391 = arith.constant 10 : i32
      %lt3A_392 = arith.cmpi slt, %add3A_390, %lt3A_391 : i32
      %convert_element_type3A_393 = arith.extui %lt3A_392 : i1 to i32
      %cond3A_394 = arith.constant 0 : i32
      %cond3A_395 = arith.cmpi ne, %convert_element_type3A_393, %cond3A_394 : i32
      scf.if %cond3A_395 {
        %add3A_396 = arith.constant 5 : i32
        %add3A_397 = arith.addi %add3A_369, %add3A_396 : i32
        %dma_start3A_398 = arith.constant 4 : i32
        %dma_start3A_399 = arith.constant 4 : i32
        %dma_start3A_400 = arith.constant 0 : i32
        %dma_start3A_401 = arith.constant 0 : i32
        %dma_start3A_402 = tpu.memref_slice %arg6[%dma_start3A_398, %dma_start3A_400, %dma_start3A_401] : memref<5x128x128xf32, #tpu.memory_space<vmem>> -> memref<1x128x128xf32, #tpu.memory_space<vmem>>
        %dma_start3A_403 = tpu.memref_squeeze %dma_start3A_402 : memref<1x128x128xf32, #tpu.memory_space<vmem>> -> memref<128x128xf32, #tpu.memory_space<vmem>>
        %dma_start3A_404 = arith.constant 0 : i32
        %dma_start3A_405 = tpu.memref_slice %arg5[%add3A_397, %dma_start3A_404] : memref<50x128xi32, #tpu.memory_space<vmem>> -> memref<1x128xi32, #tpu.memory_space<vmem>>
        %dma_start3A_406 = tpu.memref_squeeze %dma_start3A_405 : memref<1x128xi32, #tpu.memory_space<vmem>> -> memref<128xi32, #tpu.memory_space<vmem>>
        %dma_start3A_407 = arith.constant 0 : i32
        %dma_start3A_408 = arith.constant 0 : i32
        %dma_start3A_409 = tpu.memref_slice %arg3[%dma_start3A_407, %dma_start3A_408] : memref<1000000x128xf32, #tpu.memory_space<hbm>> -> memref<1000000x128xf32, #tpu.memory_space<hbm>>
        %dma_start3A_410 = tpu.memref_slice %arg7[%dma_start3A_399] : memref<5x!tpu.dma_semaphore, #tpu.memory_space<semaphore_mem>> -> memref<1x!tpu.dma_semaphore, #tpu.memory_space<semaphore_mem>>
        %dma_start3A_411 = tpu.memref_squeeze %dma_start3A_410 : memref<1x!tpu.dma_semaphore, #tpu.memory_space<semaphore_mem>> -> memref<!tpu.dma_semaphore, #tpu.memory_space<semaphore_mem>>
        tpu.enqueue_indirect_dma source(%dma_start3A_409 : memref<1000000x128xf32, #tpu.memory_space<hbm>>) target(%dma_start3A_403 : memref<128x128xf32, #tpu.memory_space<vmem>>) offsets(%dma_start3A_406 : memref<128xi32, #tpu.memory_space<vmem>>) semaphore(%dma_start3A_411 : memref<!tpu.dma_semaphore, #tpu.memory_space<semaphore_mem>>)
      } else {
      }
    }
    %scan3A_81 = arith.constant 10 : i32
    return
  }
}

</mosaic_0001>

<sc_bundles>
// kernel: kernel.3.cloned.1.call-start
scs
__scs_entry_jumppad:
0x0: {  	(pc) =	sbr.rel $0x88, $3  }
0x1: {  	(tag) =	ssettag $0x0;
	lr =	simm.s32 $0x1  }
0x2: {  	[smem:$0x3F9F] =	sst lr;
	_ =	strace $0xD0000000  }
0x3: {  	_ = 	snop  }
0x4: {  	_ = 	snop  }
0x5: {  	_ = 	snop  }
0x6: {  	_ = 	snop  }
0x7: {  	_ = 	snop  }
__scs_overlays_trampoline_lowered:
0x8: {  	[smem:$0x3FAE] =	sst s0  }
0x9: {  	[smem:$0x3FAF] =	sst s1  }
0xa: {  	[smem:$0x3FB0] =	sst s2  }
0xb: {  	[smem:$0x3FB1] =	sst s3  }
0xc: {  	[smem:$0x3FB2] =	sst s4  }
0xd: {  	[smem:$0x3FB3] =	sst s5  }
0xe: {  	[smem:$0x3FB4] =	sst s6  }
0xf: {  	[smem:$0x3FB5] =	sst s7  }
0x10: {  	[smem:$0x3FB6] =	sst s8  }
0x11: {  	[smem:$0x3FB7] =	sst s9;
	s0 =	simm.s32 @!p0 $0x0  }
0x12: {  	s1 =	sld [smem:$0x3F9D];
	s0 =	simm.s32 @p0 $0x1  }
0x13: {  	[smem:$0x3FB8] =	sst s0;
	s0 =	simm.s32 @!p1 $0x0  }
0x14: {  	s2 =	sld [smem:$0x3F9C];
	s0 =	simm.s32 @p1 $0x1  }
0x15: {  	[smem:$0x3FB9] =	sst s0;
	s0 =	simm.s32 @!p2 $0x0  }
0x16: {  	s3 =	sld [smem:$0x3FDB];
	s0 =	simm.s32 @p2 $0x1  }
0x17: {  	s4 =	simm.s32 $0x1BF5;
	[smem:$0x3FBB] =	sst s0  }
0x18: {  	s0 =	sld [smem:$0x3F9E];
	_ =	swait.ge [sflag:s4], $0x0  }
0x19: {  	s7 =	sld [smem:$0x3F9F]  }
0x1a: {  	s8 =	sadd.s32 $0xFFFFE003, lr  }
0x1b: {  	s9 =	sadd.s32 $0xFFFFFEF7, lr;
	s5 =	simm.s32 $0xFFFFFFFF;
	p2 =	slt.u32 s8, $0xFFFFF086  }
0x1c: {  	p1 =	slt.u32 s9, $0xF7A;
	s5 =	simm.s32 @!p2 $0x0  }
0x1d: {  	s5 =	simm.s32 @p1 $0x1;
	p0 =	seq.s32 s7, s2  }
0x1e: {  	s7 =	smul.u32 @!p0 $0xF7A, s2;
	p2 =	seq.s32 @!p0 s5, $0x0  }
0x1f: {  	s9 =	smul.u32 $0xF7A, s1;
	s8 =	simm.s32 @!p0 $0x1BF5;
	p2 =	por !p2, p0  }
0x20: {  	[sflag:s8] =	ssyncset.s32 @!p0 $0xFFFFF086;
	s6 =	sadd.s32 @!p0 s3, s7;
	s7 =	simm.s32 @!p0 $0x108  }
0x21: {  	s3 =	sadd.s32 s3, s9;
	s6 =	sadd.s32 @!p0 $0x88, s6;
	s7 =	simm.s32 @p2 $0x1082  }
0x22: {  	[simem:s7], [sflag:s8] =	dma.local @!p0 [hbm:s6], $0xF7A  }
0x23: {  	s9 =	sor.u32 $0xD0000000, s2;
	s6 =	simm.s32 $0x108;
	_ =	swait.ge @!p0 [sflag:s8], $0x0  }
0x24: {  	s3 =	sadd.s32 $0x88, s3;
	s6 =	simm.s32 @!p1 $0x1082;
	[sflag:s4] =	ssyncset.s32 $0xFFFFF086  }
0x25: {  	[simem:s6], [sflag:s4] =	dma.local [hbm:s3], $0xF7A  }
0x26: {  	[smem:$0x3F9F] =	sst s1;
	(tag) =	ssettag s2;
	_ =	strace s9  }
0x27: {  	s1 =	sld [smem:$0x3FAF]  }
0x28: {  	s2 =	sld [smem:$0x3FB0]  }
0x29: {  	s4 =	sld [smem:$0x3FB2]  }
0x2a: {  	p0 =	seq.s32 s5, $0x0;
	s5 =	sld [smem:$0x3FB3]  }
0x2b: {  	s6 =	sld [smem:$0x3FB4]  }
0x2c: {  	s7 =	sld [smem:$0x3FB5]  }
0x2d: {  	s3 =	simm.s32 $0x108;
	s8 =	sld [smem:$0x3FB6]  }
0x2e: {  	s3 =	simm.s32 @!p0 $0x1082;
	s9 =	sld [smem:$0x3FB7]  }
0x2f: {  	lr =	sadd.s32 s0, s3;
	s0 =	sld [smem:$0x3FAE]  }
0x30: {  	s3 =	sld [smem:$0x3FB1]  }
0x31: {  	[smem:$0x3FBA] =	sst s10  }
0x32: {  	s10 =	sld [smem:$0x3FB8];
	_ =	sdelay $0x3  }
0x33: {  	p0 =	seq.s32 s10, $0x1;
	s10 =	sld [smem:$0x3FBA];
	_ =	sdelay $0x3  }
0x34: {  	[smem:$0x3FBA] =	sst s10  }
0x35: {  	s10 =	sld [smem:$0x3FB9];
	_ =	sdelay $0x3  }
0x36: {  	p1 =	seq.s32 s10, $0x1;
	s10 =	sld [smem:$0x3FBA];
	_ =	sdelay $0x3  }
0x37: {  	[smem:$0x3FBA] =	sst s10  }
0x38: {  	s10 =	sld [smem:$0x3FBB]  }
0x39: {  	_ = 	snop;
	(pc) =	sbr.ind lr, $3  }
0x3a: {  	_ = 	snop  }
0x3b: {  	_ = 	snop  }
0x3c: {  	p2 =	seq.s32 s10, $0x1;
	s10 =	sld [smem:$0x3FBA]  }
0x3d: {  	_ =	shalt  }
0x3e: {  	_ =	shalt  }
0x3f: {  	_ =	shalt  }
0x40: {  	_ =	shalt  }
0x41: {  	_ =	shalt  }
0x42: {  	_ =	shalt  }
0x43: {  	_ =	shalt  }
0x44: {  	_ =	shalt  }
0x45: {  	_ =	shalt  }
0x46: {  	_ =	shalt  }
0x47: {  	_ =	shalt  }
0x48: {  	_ =	shalt  }
0x49: {  	_ =	shalt  }
0x4a: {  	_ =	shalt  }
0x4b: {  	_ =	shalt  }
0x4c: {  	_ =	shalt  }
0x4d: {  	_ =	shalt  }
0x4e: {  	_ =	shalt  }
0x4f: {  	_ =	shalt  }
0x50: {  	_ =	shalt  }
0x51: {  	_ =	shalt  }
0x52: {  	_ =	shalt  }
0x53: {  	_ =	shalt  }
0x54: {  	_ =	shalt  }
0x55: {  	_ =	shalt  }
0x56: {  	_ =	shalt  }
0x57: {  	_ =	shalt  }
0x58: {  	_ =	shalt  }
0x59: {  	_ =	shalt  }
0x5a: {  	_ =	shalt  }
0x5b: {  	_ =	shalt  }
0x5c: {  	_ =	shalt  }
0x5d: {  	_ =	shalt  }
0x5e: {  	_ =	shalt  }
0x5f: {  	_ =	shalt  }
0x60: {  	_ =	shalt  }
0x61: {  	_ =	shalt  }
0x62: {  	_ =	shalt  }
0x63: {  	_ =	shalt  }
0x64: {  	_ =	shalt  }
0x65: {  	_ =	shalt  }
0x66: {  	_ =	shalt  }
0x67: {  	_ =	shalt  }
0x68: {  	_ =	shalt  }
0x69: {  	_ =	shalt  }
0x6a: {  	_ =	shalt  }
0x6b: {  	_ =	shalt  }
0x6c: {  	_ =	shalt  }
0x6d: {  	_ =	shalt  }
0x6e: {  	_ =	shalt  }
0x6f: {  	_ =	shalt  }
0x70: {  	_ =	shalt  }
0x71: {  	_ =	shalt  }
0x72: {  	_ =	shalt  }
0x73: {  	_ =	shalt  }
0x74: {  	_ =	shalt  }
0x75: {  	_ =	shalt  }
0x76: {  	_ =	shalt  }
0x77: {  	_ =	shalt  }
0x78: {  	_ =	shalt  }
0x79: {  	_ =	shalt  }
0x7a: {  	_ =	shalt  }
0x7b: {  	_ =	shalt  }
0x7c: {  	_ =	shalt  }
0x7d: {  	_ =	shalt  }
0x7e: {  	_ =	shalt  }
0x7f: {  	_ =	shalt  }
0x80: {  	_ =	shalt  }
0x81: {  	_ =	shalt  }
0x82: {  	_ =	shalt  }
0x83: {  	_ =	shalt  }
0x84: {  	_ =	shalt  }
0x85: {  	_ =	shalt  }
0x86: {  	_ =	shalt  }
0x87: {  	_ =	shalt  }
.Lfunc_end0:
.L_simem_size_0:
called_computation.1_lowered:
.L_overlay_start_0:
0x88: {  	s2 =	sld [smem:$0x3FD9]  }
0x89: {  	s3 =	sld [smem:$0x3FFE];
	_ =	sdelay $0x1  }
0x8a: {  	s1 =	srdreg.scid  }
0x8b: {  	s0 =	sand.u32 $0x1, s1  }
0x8c: {  	s17 =	sshll.u32 s0, $0xA;
	s2 =	sadd.s32 s3, s2  }
0x8d: {  	s2 =	sadd.s32 s2, s17  }
0x8e: {  	[smem:$0x3FC6] =	sst s2  }
0x8f: {  	_ = 	snop  }
0x90: {  	s2 =	sld [smem:$0x3FD0];
	(tm) =	ssettm $0x1  }
0x91: {  	s18 =	sld [smem:$0x3FFB];
	_ =	sdelay $0x3  }
0x92: {  	_ =	strace s18  }
0x93: {  	s3 =	sld [smem:$0x3FFC];
	_ =	sdelay $0x3  }
0x94: {  	_ =	strace s3  }
0x95: {  	s3 =	sld [smem:$0x3FFD];
	_ =	sdelay $0x3  }
0x96: {  	_ =	strace s3  }
0x97: {  	_ =	strace $0x8FFFFFFF  }
0x98: {  	s19 =	sld [smem:$0x3FDB];
	_ =	sdelay $0x1  }
0x99: {  	s4 =	simm.s32 $_scs_section_size  }
0x9a: {  	s5 =	simm.s32 $_size__tile_overlayer_lowered;
	s6 =	simm.s32 $_tile_overlayer_lowered  }
0x9b: {  	s22 =	simm.s32 $0x1BFF;
	s21 =	sshll.u32 s6, $0x1;
	s3 =	sadd.s32 s4, s19  }
0x9c: {  	s7 =	simm.s32 $0x0;
	s20 =	sshll.u32 s5, $0x1;
	s5 =	sadd.s32 s21, s3  }
0x9d: {  	[timem:s7], [sflag:s22] =	dma.local [hbm:s5], s20  }
0x9e: {  	_ =	swait.ge [sflag:s22], s20  }
0x9f: {  	s4 =	ssub.s32 $0x0, s20;
	[sflag:s22] =	ssyncset.done $0x0  }
0xa0: {  	[sflag:s22] =	ssyncadd.s32 s4;
	_ =	sdelay $0x1  }
0xa1: {  	s23 =	simm.s32 $0x1B8B  }
0xa2: {  	_ =	swait.ge [sflag:s23], $0x1  }
0xa3: {  	[sflag:s23] =	ssyncset.done $0x0  }
0xa4: {  	s25 =	simm.s32 $0x1B8E;
	s24 =	sld [smem:$0x3FFE];
	[sflag:s23] =	ssyncadd.s32 $0xFFFFFFFF  }
0xa5: {  	s26 =	simm.s32 $execute0_lowered;
	[smem:$0x3FD2] =	sst s25  }
0xa6: {  	s5 =	sshll.u32 s26, $0x1;
	_ =	strace $0x80000046;
	[dreg:$0x1] =	wrdreg $0xFFFFFFFF  }
0xa7: {  	s28 =	simm.s32 $_size_execute0_lowered;
	s3 =	sadd.s32 s3, s5;
	[dreg:$0x0] =	wrdreg $0x0  }
0xa8: {  	s5 =	sshll.u32 s28, $0x1;
	[dreg:$0x2] =	wrdreg s3  }
0xa9: {  	[dreg:$0x3] =	wrdreg s5  }
0xaa: {  	[dreg:$0x4] =	wrdreg $0xC0  }
0xab: {  	_ =	task [dreg:s7], $0x5FFFF  }
0xac: {  	[dreg:$0x1] =	wrdreg $0xFFFFFFFF  }
0xad: {  	[dreg:$0x0] =	wrdreg $0x60  }
0xae: {  	[dreg:$0x2] =	wrdreg s2  }
0xaf: {  	[dreg:$0x3] =	wrdreg s24  }
0xb0: {  	[dreg:$0x4] =	wrdreg $0x9  }
0xb1: {  	_ =	task.clear_ibuf [dreg:s7], $0x5FFFF;
	_ =	strace $0x90000046  }
0xb2: {  	s29 =	simm.s32 $0x9;
	_ =	strace $0x80000048  }
0xb3: {  	_ =	swait.ge [sflag:s29], $0x1  }
0xb4: {  	[sflag:s29] =	ssyncadd.s32 $0xFFFFFFFF  }
0xb5: {  	_ =	strace $0x90000048  }
0xb6: {  	_ =	sfence  }
0xb7: {  	s30 =	sld [smem:$0x0];
	_ =	sdelay $0x2  }
0xb8: {  	s31 =	sshll.u32 s1, $0xD;
	s1 =	sshrl.u32 s1, $0x2  }
0xb9: {  	s3 =	sand.u32 $0x4000, s31;
	s1 =	sadd.s32 s1, s30  }
0xba: {  	s0 =	sor.u32 s3, s0;
	s1 =	sshll.u32 s1, $0x11  }
0xbb: {  	s0 =	sor.u32 s1, s0  }
0xbc: {  	s0 =	sadd.s32 $0x8F2B, s0  }
0xbd: {  	[sflag:s0] =	ssyncadd.remote.s32 $0x1  }
0xbe: {  	_ =	sfence.sel $0xFFFF  }
0xbf: {  	[dreg:$0x0] =	wrdreg $0xFFFFFFFF;
	(pc) =	sbr.abs _section_cstart, $3  }
0xc0: {  	[dreg:$0x1] =	wrdreg $0xFFFFFFFF  }
0xc1: {  	_ =	task.clear_ibuf [dreg:s7], $0x2FFFF;
	_ =	strace $0x9FFFFFFF  }
0xc2: {  	(tm) =	ssettm $0x7FFFFFFF  }
0xc3: {  	_ =	shalt  }
tec
execute0_lowered:
.L_overlay_start_1:
0x0: {  	(tag) =	ssettag $0x1  }
0x1: {  	s4 =	rddreg [dreg:$0x0]  }
0x2: {  	s3 =	rddreg [dreg:$0x1]  }
0x3: {  	s2 =	simm.s32 $0x0;
	s1 =	stileid.u32;
	s5 =	srdreg.scid  }
0x4: {  	s10 =	simm.s32 $0x5C00;
	s11 =	simm.s32 $0x100;
	s12 =	simm.s32 $0x9C00  }
0x5: {  	s13 =	simm.s32 $0x180;
	s14 =	simm.s32 $0xDC00;
	s15 =	simm.s32 $0x200  }
0x6: {  	s16 =	simm.s32 $0x11C00;
	s17 =	simm.s32 $0x1;
	s18 =	simm.s32 $0x2  }
0x7: {  	s19 =	simm.s32 $0x3;
	s20 =	simm.s32 $0x4;
	s21 =	simm.s32 $0x5  }
0x8: {  	s22 =	simm.s32 $0x6;
	s23 =	simm.s32 $0x7;
	s24 =	simm.s32 $0x8  }
0x9: {  	s25 =	simm.s32 $0x9;
	s26 =	simm.s32 $0xA;
	[smem:$0x7FF] =	sst s2  }
0xa: {  	s6 =	smul.u32 $0x32000, s1;
	s5 =	sand.u32 $0x1, s5;
	s7 =	sshll.u32 s1, $0x1  }
0xb: {  	s8 =	ssub.s32 $0x2, s5;
	s7 =	sor.u32 s5, s7;
	s5 =	smul.u32 $0x19000, s5  }
.Ltmp0:
0xc: {  	s28 =	simm.s32 $0x0;
	_ =	strace $0x80000047;
	(pc) =	sbr.rel .LBB2_1-.Ltmp0, $4  }
0xd: {  	s6 =	sadd.s32 s6, s3;
	s9 =	sshrl.u32 s8, $0x1;
	s7 =	smul.u32 $0x380, s7  }
0xe: {  	s3 =	sadd.s32 $0xF42E00, s3;
	s8 =	ssub.s32 s8, s9;
	s6 =	sadd.s32 s5, s6  }
0xf: {  	s9 =	simm.s32 $0x1C00;
	s4 =	sadd.s32 s4, s7;
	s5 =	smax.u32 s8, $0x1  }
0x10: {  	s6 =	sadd.s32 $0x2A00, s6;
	s7 =	simm.s32 $0xB;
	s8 =	simm.s32 $0x80  }
.LBB2_3:
0x11: {  	_ =	swait.ge [sflag:s23], $0x4000  }
0x12: {  	[sflag:s23] =	ssyncset.done $0x0  }
0x13: {  	[sflag:s23] =	ssyncadd.s32 $0xFFFFC000  }
0x14: {  	_ =	swait.ge [sflag:s24], $0x4000  }
0x15: {  	[sflag:s24] =	ssyncset.done $0x0  }
0x16: {  	[sflag:s24] =	ssyncadd.s32 $0xFFFFC000  }
0x17: {  	_ =	swait.ge [sflag:s25], $0x4000  }
0x18: {  	[sflag:s25] =	ssyncset.done $0x0  }
0x19: {  	[sflag:s25] =	ssyncadd.s32 $0xFFFFC000  }
0x1a: {  	_ =	swait.ge [sflag:s26], $0x4000  }
0x1b: {  	[sflag:s26] =	ssyncset.done $0x0  }
0x1c: {  	[sflag:s26] =	ssyncadd.s32 $0xFFFFC000  }
.LBB2_5:
0x1d: {  	s28 =	sadd.s32 $0x1, s28  }
0x1e: {  	p0 =	sne.s32 s28, s5  }
.Ltmp1:
0x1f: {  	_ = 	snop;
	(pc) =	sbr.rel @!p0 .LBB2_6-.Ltmp1, $1  }
0x20: {  	_ =	sdelay $0x3  }
.LBB2_1:
0x21: {  	[tilespmem:s2], [sflag:$0xB] =	stream.linear.gather [hbm4b:s4+s2], $0x1900, $0x38;
	[tilespmem:$0x15C00] =	vst v63  }
0x22: {  	_ =	swait.ge [sflag:s7], $0x1900  }
0x23: {  	[sflag:s7] =	ssyncset.done $0x0  }
0x24: {  	[sflag:s7] =	ssyncadd.s32 $0xFFFFE700  }
0x25: {  	[tilespmem:s9], [sflag:$0x1] =	stream.indirect.gather [hbm4b:s3+s8], $0x80, s2, s8, $0xb8;
	[tilespmem:$0x15C00] =	vst v63  }
0x26: {  	_ = 	snop  }
0x27: {  	[tilespmem:s10], [sflag:$0x2] =	stream.indirect.gather [hbm4b:s3+s8], $0x80, s8, s8, $0xb8;
	[tilespmem:$0x15C00] =	vst v63  }
0x28: {  	_ = 	snop  }
0x29: {  	[tilespmem:s12], [sflag:$0x3] =	stream.indirect.gather [hbm4b:s3+s8], $0x80, s11, s8, $0xb8;
	[tilespmem:$0x15C00] =	vst v63  }
0x2a: {  	_ = 	snop  }
0x2b: {  	[tilespmem:s14], [sflag:$0x4] =	stream.indirect.gather [hbm4b:s3+s8], $0x80, s13, s8, $0xb8;
	[tilespmem:$0x15C00] =	vst v63  }
0x2c: {  	s29 =	smov.u32 s6;
	s30 =	simm.s32 $0x0  }
0x2d: {  	[tilespmem:s16], [sflag:$0x5] =	stream.indirect.gather [hbm4b:s3+s8], $0x80, s15, s8, $0xb8;
	[tilespmem:$0x15C00] =	vst v63  }
.LBB2_2:
0x2e: {  	_ =	swait.ge [sflag:s17], $0x4000  }
0x2f: {  	[sflag:s17] =	ssyncset.done $0x0  }
0x30: {  	s31 =	sadd.s32 $0xFFFFE000, s29;
	[sflag:s17] =	ssyncadd.s32 $0xFFFFC000  }
0x31: {  	[hbm4b:s31+s2] =	stream.linear.scatter [tilespmem:s9], [sflag:$0x6], $0x4000, $0x38;
	[tilespmem:$0x15C00] =	vst v63  }
0x32: {  	_ =	swait.ge [sflag:s18], $0x4000  }
0x33: {  	[sflag:s18] =	ssyncset.done $0x0  }
0x34: {  	s0 =	sadd.s32 $0xFFFFE800, s29;
	[sflag:s18] =	ssyncadd.s32 $0xFFFFC000  }
0x35: {  	[hbm4b:s0+s2] =	stream.linear.scatter [tilespmem:s10], [sflag:$0x7], $0x4000, $0x38;
	[tilespmem:$0x15C00] =	vst v63  }
0x36: {  	_ =	swait.ge [sflag:s19], $0x4000  }
0x37: {  	[sflag:s19] =	ssyncset.done $0x0  }
0x38: {  	s0 =	sadd.s32 $0xFFFFF000, s29;
	[sflag:s19] =	ssyncadd.s32 $0xFFFFC000  }
0x39: {  	[hbm4b:s0+s2] =	stream.linear.scatter [tilespmem:s12], [sflag:$0x8], $0x4000, $0x38;
	[tilespmem:$0x15C00] =	vst v63  }
0x3a: {  	_ =	swait.ge [sflag:s20], $0x4000  }
0x3b: {  	[sflag:s20] =	ssyncset.done $0x0  }
0x3c: {  	s0 =	sadd.s32 $0xFFFFF800, s29;
	[sflag:s20] =	ssyncadd.s32 $0xFFFFC000  }
0x3d: {  	[hbm4b:s0+s2] =	stream.linear.scatter [tilespmem:s14], [sflag:$0x9], $0x4000, $0x38;
	[tilespmem:$0x15C00] =	vst v63  }
0x3e: {  	_ =	swait.ge [sflag:s21], $0x4000  }
0x3f: {  	p0 =	sne.s32 s30, $0x5A00;
	[sflag:s21] =	ssyncset.done $0x0  }
.Ltmp2:
0x40: {  	[sflag:s21] =	ssyncadd.s32 $0xFFFFC000;
	(pc) =	sbr.rel @!p0 .LBB2_3-.Ltmp2, $4  }
0x41: {  	[hbm4b:s29+s2] =	stream.linear.scatter [tilespmem:s16], [sflag:$0xA], $0x4000, $0x38;
	[tilespmem:$0x15C00] =	vst v63  }
0x42: {  	_ =	swait.ge [sflag:s22], $0x4000  }
0x43: {  	[sflag:s22] =	ssyncset.done $0x0  }
0x44: {  	[sflag:s22] =	ssyncadd.s32 $0xFFFFC000  }
0x45: {  	s31 =	sshra.s32 s30, $0x2  }
0x46: {  	s0 =	sadd.s32 $0x280, s31  }
0x47: {  	[tilespmem:s9], [sflag:$0x1] =	stream.indirect.gather [hbm4b:s3+s8], $0x80, s0, s8, $0xb8;
	[tilespmem:$0x15C00] =	vst v63  }
0x48: {  	_ =	swait.ge [sflag:s23], $0x4000  }
0x49: {  	[sflag:s23] =	ssyncset.done $0x0  }
0x4a: {  	s0 =	sadd.s32 $0x300, s31;
	[sflag:s23] =	ssyncadd.s32 $0xFFFFC000  }
0x4b: {  	[tilespmem:s10], [sflag:$0x2] =	stream.indirect.gather [hbm4b:s3+s8], $0x80, s0, s8, $0xb8;
	[tilespmem:$0x15C00] =	vst v63  }
0x4c: {  	_ =	swait.ge [sflag:s24], $0x4000  }
0x4d: {  	[sflag:s24] =	ssyncset.done $0x0  }
0x4e: {  	s0 =	sadd.s32 $0x380, s31;
	[sflag:s24] =	ssyncadd.s32 $0xFFFFC000  }
0x4f: {  	[tilespmem:s12], [sflag:$0x3] =	stream.indirect.gather [hbm4b:s3+s8], $0x80, s0, s8, $0xb8;
	[tilespmem:$0x15C00] =	vst v63  }
0x50: {  	_ =	swait.ge [sflag:s25], $0x4000  }
0x51: {  	s30 =	sadd.s32 $0xA00, s30;
	[sflag:s25] =	ssyncset.done $0x0  }
0x52: {  	p0 =	sne.s32 s30, $0x6400;
	s0 =	sadd.s32 $0x400, s31;
	[sflag:s25] =	ssyncadd.s32 $0xFFFFC000  }
0x53: {  	[tilespmem:s14], [sflag:$0x4] =	stream.indirect.gather [hbm4b:s3+s8], $0x80, s0, s8, $0xb8;
	[tilespmem:$0x15C00] =	vst v63  }
.Ltmp3:
0x54: {  	_ = 	snop;
	(pc) =	sbr.rel @p0 .LBB2_2-.Ltmp3, $4  }
.Ltmp4:
0x55: {  	_ =	swait.ge [sflag:s26], $0x4000;
	(pc) =	sbr.rel @!p0 .LBB2_5-.Ltmp4, $4  }
0x56: {  	[sflag:s26] =	ssyncset.done $0x0  }
0x57: {  	s29 =	sadd.s32 $0x2800, s29;
	s31 =	sadd.s32 $0x480, s31;
	[sflag:s26] =	ssyncadd.s32 $0xFFFFC000  }
0x58: {  	[tilespmem:s16], [sflag:$0x5] =	stream.indirect.gather [hbm4b:s3+s8], $0x80, s31, s8, $0xb8;
	[tilespmem:$0x15C00] =	vst v63  }
0x59: {  	_ = 	snop  }
.LBB2_6:
0x5a: {  	_ =	sfence.sel $0x180000  }
0x5b: {  	[bflag:$0x0] =	sbarrier.arrive $0xFFFF  }
0x5c: {  	_ =	strace $0x90000047  }
0x5d: {  	[bflag:$0x2] =	sbarrier.arrive $0xFFFF  }
0x5e: {  	p0 =	sne.s32 s1, $0x0;
	s0 =	rddreg [dreg:$0x2]  }
0x5f: {  	s0 =	sadd.s32 @!p0 $0x100000, s0  }
0x60: {  	[sflag:s0] =	ssyncadd.tile.s32 @!p0 $0x1;
	_ =	shalt  }
.Lfunc_end2:
_tile_overlayer_lowered:
.L_overlay_start_2:
0x61: {  	(tag) =	ssettag $0x2  }
0x62: {  	s0 =	rddreg [dreg:$0x0];
	s2 =	stileid.u32  }
0x63: {  	s1 =	rddreg [dreg:$0x1];
	p0 =	sne.s32 s2, $0x0  }
0x64: {  	s3 =	rddreg [dreg:$0x2];
	[bflag:$0x3] =	sbarrier.arrive $0xFFFF;
	s2 =	simm.s32 @!p0 $0x1C0B  }
0x65: {  	[timem:s3], [sflag:s2] =	dma.local @!p0 [hbm:s0], s1  }
0x66: {  	s0 =	simm.s32 @!p0 $0xB  }
0x67: {  	_ =	swait.ge @!p0 [sflag:s0], s1  }
0x68: {  	s1 =	ssub.s32 @!p0 $0x0, s1;
	[sflag:s0] =	ssyncset.done @!p0 $0x0  }
0x69: {  	[sflag:s0] =	ssyncadd.s32 @!p0 s1  }
0x6a: {  	[bflag:$0x3] =	sbarrier.arrive $0xFFFF  }
0x6b: {  	_ =	shalt  }

// kernel: sparse-core-data-format-call.cloned.1.call-start
scs
called_computation_lowered:
.L_overlay_start_0:
0x0: {  	s2 =	sld [smem:$0x3FD9]  }
0x1: {  	s3 =	sld [smem:$0x3FFE];
	_ =	sdelay $0x1  }
0x2: {  	s1 =	srdreg.scid  }
0x3: {  	s0 =	sand.u32 $0x1, s1  }
0x4: {  	s18 =	sshll.u32 s0, $0xA;
	s2 =	sadd.s32 s3, s2  }
0x5: {  	s2 =	sadd.s32 s2, s18  }
0x6: {  	[smem:$0x3FC6] =	sst s2  }
0x7: {  	_ = 	snop  }
0x8: {  	s2 =	sld [smem:$0x3FD0];
	(tm) =	ssettm $0x1  }
0x9: {  	s19 =	sld [smem:$0x3FFB];
	_ =	sdelay $0x3  }
0xa: {  	_ =	strace s19  }
0xb: {  	s3 =	sld [smem:$0x3FFC];
	_ =	sdelay $0x3  }
0xc: {  	_ =	strace s3  }
0xd: {  	s3 =	sld [smem:$0x3FFD];
	_ =	sdelay $0x3  }
0xe: {  	_ =	strace s3  }
0xf: {  	_ =	strace $0x8FFFFFFF  }
0x10: {  	s20 =	sld [smem:$0x3FDB];
	_ =	sdelay $0x1  }
0x11: {  	s4 =	simm.s32 $_scs_section_size  }
0x12: {  	s5 =	simm.s32 $_size__tile_overlayer_lowered;
	s6 =	simm.s32 $_tile_overlayer_lowered  }
0x13: {  	s23 =	simm.s32 $0x1BFF;
	s22 =	sshll.u32 s6, $0x1;
	s3 =	sadd.s32 s4, s20  }
0x14: {  	s7 =	simm.s32 $0x0;
	s21 =	sshll.u32 s5, $0x1;
	s5 =	sadd.s32 s22, s3  }
0x15: {  	[timem:s7], [sflag:s23] =	dma.local [hbm:s5], s21  }
0x16: {  	_ =	swait.ge [sflag:s23], s21  }
0x17: {  	s4 =	ssub.s32 $0x0, s21;
	[sflag:s23] =	ssyncset.done $0x0  }
0x18: {  	[sflag:s23] =	ssyncadd.s32 s4;
	_ =	sdelay $0x1  }
0x19: {  	s24 =	simm.s32 $0x1B8B  }
0x1a: {  	_ =	swait.ge [sflag:s24], $0x1  }
0x1b: {  	[sflag:s24] =	ssyncset.done $0x0  }
0x1c: {  	s26 =	simm.s32 $0x1B8E;
	s25 =	sld [smem:$0x3FFE];
	[sflag:s24] =	ssyncadd.s32 $0xFFFFFFFF  }
0x1d: {  	s27 =	simm.s32 $execute0_lowered;
	[smem:$0x3FD2] =	sst s26  }
0x1e: {  	s5 =	sshll.u32 s27, $0x1;
	_ =	strace $0x80000049;
	[dreg:$0x1] =	wrdreg $0xFFFFFFFF  }
0x1f: {  	s28 =	simm.s32 $_size_execute0_lowered;
	s3 =	sadd.s32 s3, s5;
	[dreg:$0x0] =	wrdreg $0x0  }
0x20: {  	s5 =	sshll.u32 s28, $0x1;
	[dreg:$0x2] =	wrdreg s3  }
0x21: {  	[dreg:$0x3] =	wrdreg s5  }
0x22: {  	[dreg:$0x4] =	wrdreg $0xC0  }
0x23: {  	_ =	task [dreg:s7], $0x5FFFF  }
0x24: {  	[dreg:$0x1] =	wrdreg $0xFFFFFFFF  }
0x25: {  	[dreg:$0x0] =	wrdreg $0x60  }
0x26: {  	[dreg:$0x2] =	wrdreg s25  }
0x27: {  	[dreg:$0x3] =	wrdreg s2  }
0x28: {  	[dreg:$0x4] =	wrdreg $0x9  }
0x29: {  	_ =	task.clear_ibuf [dreg:s7], $0x5FFFF;
	_ =	strace $0x90000049  }
0x2a: {  	s29 =	simm.s32 $0x9;
	_ =	strace $0x8000004B  }
0x2b: {  	_ =	swait.ge [sflag:s29], $0x1  }
0x2c: {  	[sflag:s29] =	ssyncadd.s32 $0xFFFFFFFF  }
0x2d: {  	_ =	strace $0x9000004B  }
0x2e: {  	_ =	sfence  }
0x2f: {  	s30 =	sld [smem:$0x0];
	_ =	sdelay $0x2  }
0x30: {  	s31 =	sshll.u32 s1, $0xD;
	s1 =	sshrl.u32 s1, $0x2  }
0x31: {  	s3 =	sand.u32 $0x4000, s31;
	s1 =	sadd.s32 s1, s30  }
0x32: {  	s0 =	sor.u32 s3, s0;
	s1 =	sshll.u32 s1, $0x11  }
0x33: {  	s0 =	sor.u32 s1, s0  }
0x34: {  	s0 =	sadd.s32 $0x8F2B, s0  }
0x35: {  	[sflag:s0] =	ssyncadd.remote.s32 $0x1  }
0x36: {  	_ =	sfence.sel $0xFFFF  }
0x37: {  	[dreg:$0x0] =	wrdreg $0xFFFFFFFF;
	(pc) =	sbr.abs _section_cstart, $3  }
0x38: {  	[dreg:$0x1] =	wrdreg $0xFFFFFFFF  }
0x39: {  	_ =	task.clear_ibuf [dreg:s7], $0x2FFFF;
	_ =	strace $0x9FFFFFFF  }
0x3a: {  	(tm) =	ssettm $0x7FFFFFFF  }
0x3b: {  	_ =	shalt  }
tec
execute0_lowered:
.L_overlay_start_1:
0x0: {  	(tag) =	ssettag $0x1  }
0x1: {  	s0 =	stileid.u32;
	s6 =	rddreg [dreg:$0x0]  }
0x2: {  	s2 =	rddreg [dreg:$0x1];
	s5 =	srdreg.scid  }
0x3: {  	s31 =	simm.s32 $0x2;
	s13 =	simm.s32 $0x0;
	s1 =	sshll.u32 s0, $0x7  }
0x4: {  	s14 =	simm.s32 $0x0;
	s12 =	simm.s32 $0x0;
	s3 =	sand.u32 $0x380, s1  }
0x5: {  	s5 =	sshll.u32 s5, $0x4;
	s6 =	sadd.s32 $0xA00, s6;
	s4 =	ssub.s32 $0x400, s3  }
0x6: {  	s1 =	rddreg [dreg:$0x2];
	_ =	strace $0x8000004A;
	s7 =	sand.u32 $0x380, s4  }
0x7: {  	s5 =	sand.u32 $0x10, s5;
	p0 =	sne.s32 s7, $0x0;
	s7 =	simm.s32 $0x1  }
.Ltmp0:
0x8: {  	s8 =	sshrl.u32 s4, $0xA;
	s7 =	simm.s32 @!p0 $0x0;
	(pc) =	sbr.rel .LBB1_1-.Ltmp0, $4  }
0x9: {  	s9 =	sor.u32 s0, s5;
	s4 =	simm.s32 $0x1;
	s30 =	sadd.s32 s7, s8  }
0xa: {  	s11 =	smov.u32 s3;
	[sflag:s4] =	ssyncpa.u1 $0x0;
	s5 =	smul.u32 $0x32, s30  }
0xb: {  	[sflag:s31] =	ssyncpa.u1 $0x0;
	p0 =	por $0x0, $0x0;
	s7 =	sshrl.u32 s9, $0x3  }
0xc: {  	s9 =	simm.s32 $0x2000;
	s10 =	smov.u32 s7;
	s8 =	sor.u32 $0x1, s5  }
.LBB1_4:
0xd: {  	s17 =	sand.u32 $0x1F80, s14;
	s13 =	sshll.u32 s13, $0xD  }
0xe: {  	[tilespmem:s16+$0x810 ss:$0x81] =	vst.msk $0xffff, v2;
	s18 =	sshrl.u32 s14, $0x3;
	s31 =	sand.u32 $0x7, s14;
	s17 =	sadd.s32 s2, s17  }
0xf: {  	[tilespmem:s16+$0x1020 ss:$0x81] =	vst.msk $0xffff, v0;
	s18 =	sand.u32 $0xF, s18;
	s14 =	sshll.u32 s31, $0x12;
	s13 =	sadd.s32 s13, s17  }
0x10: {  	[tilespmem:s16+$0x0 ss:$0x81] =	vst.msk $0xffff, v1;
	s14 =	sor.u32 $0x400, s14;
	s13 =	sadd.s32 s18, s13  }
0x11: {  	[hbm4b:s13+s14] =	stream.strided.scatter [tilespmem:s15], [sflag:$0x2], $0x2000, s9, s14, $0x20;
	[tilespmem:$0x8080] =	vst v63  }
.LBB1_5:
0x12: {  	s15 =	sadd.s32 $0x4, s10  }
0x13: {  	s13 =	sadd.s32 $0x400, s11;
	s17 =	smov.u32 s11;
	p2 =	sgt.s32 s15, $0xC7  }
0x14: {  	s17 =	smov.u32 @p2 s13  }
0x15: {  	s15 =	smov.u32 @p2 s7;
	p2 =	sgt.s32 s17, $0x3FF  }
0x16: {  	s17 =	smov.u32 @p2 s3;
	p2 =	sne.s32 s12, s8  }
.Ltmp1:
0x17: {  	p1 =	slt.u32 s12, $0x2;
	(pc) =	sbr.rel @!p2 .LBB1_6-.Ltmp1, $4  }
0x18: {  	s16 =	simm.s32 @!p1 $0x2  }
0x19: {  	s14 =	smov.u32 s11;
	p0 =	por !p0, !p0;
	_ =	swait.ge @!p1 [sflag:s16], $0x2000  }
0x1a: {  	s13 =	smov.u32 s10;
	[sflag:s16] =	ssyncset.done @!p1 $0x0;
	s10 =	smov.u32 s15  }
0x1b: {  	s12 =	sadd.s32 $0x1, s12;
	[sflag:s16] =	ssyncadd.s32 @!p1 $0xFFFFE000;
	s11 =	smov.u32 s17  }
.LBB1_1:
0x1c: {  	p1 =	sge.u32 s12, s5  }
0x1d: {  	s15 =	sand.u32 @!p1 $0x1FFFFFF, s10  }
0x1e: {  	s16 =	smulhi.u32 @!p1 $0x147AE15, s15;
	_ =	sdelay $0x1  }
0x1f: {  	s16 =	smul.u32 @!p1 $0xC8, s16  }
0x20: {  	s17 =	sxor.u32 @!p1 $0xFFFFFFFF, s12;
	s18 =	smul.u32 @!p1 $0xC80, s11  }
0x21: {  	s31 =	sadd.s32 $0xFFFFFFFF, s12;
	s17 =	sshll.u32 @!p1 s17, $0xD;
	s15 =	ssub.s32 @!p1 s15, s16  }
0x22: {  	s16 =	sand.u32 @!p1 $0x2000, s17;
	s17 =	sadd.s32 @!p1 s6, s18;
	s15 =	sshll.u32 @!p1 s15, $0x4  }
0x23: {  	s18 =	simm.s32 @!p1 $0x6400;
	s15 =	sadd.s32 @!p1 s15, s17;
	s17 =	simm.s32 @!p1 $0x40  }
0x24: {  	[tilespmem:s16], [sflag:$0x1] =	stream.strided.gather @!p1 [hbm4b:s15+s17], $0x2000, s18, s17, $0x38;
	[tilespmem:$0x8080] =	vst v63  }
0x25: {  	p1 =	sge.u32 s31, s5  }
.Ltmp2:
0x26: {  	_ = 	snop;
	(pc) =	sbr.rel @p1 .LBB1_5-.Ltmp2, $1  }
0x27: {  	_ =	sdelay $0x3  }
0x28: {  	s15 =	simm.s32 $0x1  }
0x29: {  	_ =	swait.ge [sflag:s4], $0x2000;
	s15 =	simm.s32 @!p0 $0x0  }
0x2a: {  	[sflag:s4] =	ssyncset.done $0x0;
	s16 =	sshll.u32 s15, $0xD  }
0x2b: {  	[sflag:s4] =	ssyncadd.s32 $0xFFFFE000;
	s19 =	sor.u32 $0x20, s16  }
0x2c: {  	s15 =	smul.u32 $0x8100, s15;
	v3 =	vld [tilespmem:s19+$0x10]  }
0x2d: {  	s30 =	sand.u32 $0x1, s12;
	v2 =	vld [tilespmem:s19+$0xFFFFFFF0]  }
0x2e: {  	s16 =	smul.u32 $0x8100, s30;
	s15 =	sshrl.u32 s15, $0x2;
	v0 =	vld [tilespmem:s19+$0x0]  }
0x2f: {  	v1 =	vld [tilespmem:s19+$0xFFFFFFE0];
	s17 =	sor.u32 $0x4000, s15  }
0x30: {  	s31 =	sshrl.u32 s16, $0x2;
	s16 =	sadd.s32 $0x0, s17  }
0x31: {  	s18 =	simm.s32 $0x4;
	s19 =	sadd.s32 $0x40, s19;
	s15 =	sor.u32 $0x4000, s31;
	[tilespmem:s16+$0x1830 ss:$0x81] =	vst.msk $0xffff, v3  }
.LBB1_3:
0x32: {  	v3 =	vld [tilespmem:s19+$0x10];
	p1 =	sne.s32 s18, $0x1FC;
	[tilespmem:s16+$0x810 ss:$0x81] =	vst.msk $0xffff, v2;
	s20 =	smov.u32 s18;
	s18 =	sadd.s32 $0x4, s18  }
.Ltmp3:
0x33: {  	v2 =	vld [tilespmem:s19+$0xFFFFFFF0];
	[tilespmem:s16+$0x1020 ss:$0x81] =	vst.msk $0xffff, v0;
	(pc) =	sbr.rel @p1 .LBB1_3-.Ltmp3, $4  }
0x34: {  	v0 =	vld [tilespmem:s19+$0x0];
	[tilespmem:s16+$0x0 ss:$0x81] =	vst.msk $0xffff, v1  }
0x35: {  	s16 =	sshra.s32 s20, $0x2;
	v1 =	vld [tilespmem:s19+$0xFFFFFFE0]  }
0x36: {  	s16 =	sadd.s32 s16, s17  }
0x37: {  	s19 =	sadd.s32 $0x40, s19;
	[tilespmem:s16+$0x1830 ss:$0x81] =	vst.msk $0xffff, v3  }
.Ltmp4:
0x38: {  	_ = 	snop;
	(pc) =	sbr.rel .LBB1_4-.Ltmp4, $1  }
0x39: {  	_ =	sdelay $0x3  }
.LBB1_6:
0x3a: {  	_ =	sfence.sel $0x180000  }
0x3b: {  	s2 =	simm.s32 $0x1;
	[bflag:$0x0] =	sbarrier.arrive $0xFFFF  }
0x3c: {  	s31 =	simm.s32 $0x2;
	[sflag:s2] =	ssyncpa.u1 $0x1  }
0x3d: {  	[sflag:s31] =	ssyncpa.u1 $0x1  }
0x3e: {  	p0 =	sne.s32 s0, $0x0;
	_ =	strace $0x9000004A  }
0x3f: {  	s0 =	sadd.s32 @!p0 $0x100000, s1;
	[bflag:$0x2] =	sbarrier.arrive $0xFFFF  }
0x40: {  	[sflag:s0] =	ssyncadd.tile.s32 @!p0 $0x1;
	_ =	shalt  }
.Lfunc_end1:
_tile_overlayer_lowered:
.L_overlay_start_2:
0x41: {  	(tag) =	ssettag $0x2  }
0x42: {  	s0 =	rddreg [dreg:$0x0];
	s2 =	stileid.u32  }
0x43: {  	s1 =	rddreg [dreg:$0x1];
	p0 =	sne.s32 s2, $0x0  }
0x44: {  	s3 =	rddreg [dreg:$0x2];
	[bflag:$0x3] =	sbarrier.arrive $0xFFFF;
	s2 =	simm.s32 @!p0 $0x1C01  }
0x45: {  	[timem:s3], [sflag:s2] =	dma.local @!p0 [hbm:s0], s1  }
0x46: {  	s0 =	simm.s32 @!p0 $0x1  }
0x47: {  	_ =	swait.ge @!p0 [sflag:s0], s1  }
0x48: {  	s1 =	ssub.s32 @!p0 $0x0, s1;
	[sflag:s0] =	ssyncset.done @!p0 $0x0  }
0x49: {  	[sflag:s0] =	ssyncadd.s32 @!p0 s1  }
0x4a: {  	[bflag:$0x3] =	sbarrier.arrive $0xFFFF  }
0x4b: {  	_ =	shalt  }

</sc_bundles>
